<compile_context>
chip_gen: v7x
topology: tpu7x:2x2x1
jax: 0.10.2.dev20260603
libtpu: 0.0.44.dev20260713+nightly
codegen_flags: <defaults>
</compile_context>

<pallas_src>
import functools

import jax
import jax.numpy as jnp
from jax import lax
from jax.experimental import pallas as pl
from jax.experimental.pallas import tpu as pltpu
from jax.experimental.pallas import tpu_sc as plsc

VOCAB = 1_000_000
D = 64
BATCH = 4096
SEQ = 200

NC = 2
NS = 16
NW = NC * NS
B_PER_W = BATCH // NW
NBUF = 5
DEPTH = 3
FIRST = NBUF - DEPTH

_mesh = plsc.VectorSubcoreMesh(
    core_axis_name="c", subcore_axis_name="s", num_cores=NC, num_subcores=NS
)


@functools.partial(
    pl.kernel,
    out_type=jax.ShapeDtypeStruct((SEQ, BATCH, D), jnp.float32),
    mesh=_mesh,
    scratch_types=[
        pltpu.VMEM((SEQ, B_PER_W), jnp.int32),
        pltpu.VMEM((NBUF, B_PER_W, D), jnp.float32),
    ] + [pltpu.SemaphoreType.DMA] * (2 * NBUF),
    compiler_params=pltpu.CompilerParams(
        use_tc_tiling_on_sc=False, needs_layout_passes=False
    ),
)
def _sc_gather(table_hbm, idx_hbm, out_hbm, idx_v, rows_v, *sems):
    gat_sems = sems[:NBUF]
    st_sems = sems[NBUF:]
    wid = lax.axis_index("s") * NC + lax.axis_index("c")

    pltpu.sync_copy(idx_hbm.at[:, pl.ds(wid * B_PER_W, B_PER_W)], idx_v)

    def issue_gather(i, b):
        pltpu.async_copy(
            table_hbm.at[idx_v.at[i]], rows_v.at[b], gat_sems[b]
        )

    def wait_gather(b):
        pltpu.make_async_copy(
            table_hbm.at[pl.ds(0, B_PER_W)], rows_v.at[b], gat_sems[b]
        ).wait()

    def issue_store(i, b):
        pltpu.async_copy(
            rows_v.at[b], out_hbm.at[i, pl.ds(wid * B_PER_W, B_PER_W)],
            st_sems[b],
        )

    def wait_store(b):
        pltpu.make_async_copy(
            rows_v.at[b], out_hbm.at[0, pl.ds(0, B_PER_W)], st_sems[b]
        ).wait()

    for i in range(DEPTH):
        issue_gather(i, i)

    def slot(i, b, b4, first, last):
        wait_gather(b)
        issue_store(i, b)
        if not last:
            if not first:
                wait_store(b4)
            issue_gather(i + DEPTH, b4)

    for i in range(FIRST):
        slot(i, i % NBUF, (i + DEPTH) % NBUF, True, False)

    def body(k, carry):
        i0 = FIRST + NBUF * k
        for j in range(NBUF):
            slot(i0 + j, (FIRST + j) % NBUF, (FIRST + j + DEPTH) % NBUF,
                 False, False)
        return carry

    nb = (SEQ - DEPTH - FIRST) // NBUF
    lax.fori_loop(0, nb, body, 0)
    for i in range(FIRST + NBUF * nb, SEQ - DEPTH):
        slot(i, i % NBUF, (i + DEPTH) % NBUF, False, False)

    for i in range(SEQ - DEPTH, SEQ):
        slot(i, i % NBUF, 0, False, True)
    for b in range(NBUF):
        wait_store(b)


def kernel(x, table):
    out_sb = _sc_gather(table, x.T)
    return out_sb.transpose(1, 0, 2)

# --- scband reference (transcript-rebuilt; emitter-appended) ---
"""Pipeline reference for scband-text-embedding-10934986736062 (READ-ONLY COPY).

The authoritative reference and input builder live on the scoring server;
editing this copy changes nothing except your own understanding.
"""

import jax, jax.numpy as jnp
import numpy as np

VOCAB = 1000000
EMBED_DIM = 64

def setup_inputs(seed: int = 0) -> dict:
    key = jax.random.key(seed)
    k1, k2 = jax.random.split(key)
    x = jax.random.randint(k1, (4096, 200), 0, VOCAB, dtype=jnp.int64 if jax.config.jax_enable_x64 else jnp.int32).astype(jnp.int32)
    table = jax.random.normal(k2, (VOCAB, EMBED_DIM), dtype=jnp.float32)
    return {"x": x, "table": table}

def reference(x, table):
    # TextEmbedding.forward: dropout(embedding(x)); dropout p=0.0 -> identity (eval)
    out = jnp.take(table, x, axis=0)
    return out

if __name__ == "__main__":
    import jax
    _d = setup_inputs()
    print(jax.jit(kernel)(*tuple(_d.values())))

</pallas_src>

<mosaic_0001>
#map = affine_map<(d0, d1) -> (0, 0)>
#map1 = affine_map<(d0, d1) -> (0, 0, 0)>
module attributes {stable_mosaic.version = 14 : i64} {
  func.func @_sc_gather(%arg0: i32, %arg1: i32, %arg2: memref<1000000x64xf32, #tpu.memory_space<hbm>>, %arg3: memref<200x4096xi32, #tpu.memory_space<hbm>>, %arg4: memref<200x4096x64xf32, #tpu.memory_space<hbm>>, %arg5: memref<200x128xi32, #tpu.memory_space<vmem>>, %arg6: memref<5x128x64xf32, #tpu.memory_space<vmem>>, %arg7: memref<!tpu.dma_semaphore, #tpu.memory_space<semaphore_mem>>, %arg8: memref<!tpu.dma_semaphore, #tpu.memory_space<semaphore_mem>>, %arg9: memref<!tpu.dma_semaphore, #tpu.memory_space<semaphore_mem>>, %arg10: memref<!tpu.dma_semaphore, #tpu.memory_space<semaphore_mem>>, %arg11: memref<!tpu.dma_semaphore, #tpu.memory_space<semaphore_mem>>, %arg12: memref<!tpu.dma_semaphore, #tpu.memory_space<semaphore_mem>>, %arg13: memref<!tpu.dma_semaphore, #tpu.memory_space<semaphore_mem>>, %arg14: memref<!tpu.dma_semaphore, #tpu.memory_space<semaphore_mem>>, %arg15: memref<!tpu.dma_semaphore, #tpu.memory_space<semaphore_mem>>, %arg16: memref<!tpu.dma_semaphore, #tpu.memory_space<semaphore_mem>>) attributes {dimension_semantics = [#tpu.dimension_semantics<core_parallel>, #tpu.dimension_semantics<subcore_parallel>], iteration_bounds = array<i64: 2, 16>, scalar_prefetch = 0 : i64, scratch_operands = 12 : i64, tpu.core_type = #tpu.core_type<sc_vector_subcore>, window_params = [{transform_indices = #map}, {transform_indices = #map}, {transform_indices = #map1}]} {
    %mul3A = arith.constant 2 : i32
    %mul3A_0 = arith.muli %arg1, %mul3A : i32
    %add3A = arith.addi %mul3A_0, %arg0 : i32
    %mul3A_1 = arith.constant 128 : i32
    %mul3A_2 = arith.muli %add3A, %mul3A_1 : i32
    "tpu.region"() ({
      %run_scoped3A = tpu.sem_alloc : memref<!tpu.dma_semaphore, #tpu.memory_space<semaphore_mem>>
      %dma_start3A_321 = arith.constant 0 : i32
      %dma_start3A_322 = tpu.memref_slice %arg3[%dma_start3A_321, %mul3A_2] : memref<200x4096xi32, #tpu.memory_space<hbm>> -> memref<200x128xi32, #tpu.memory_space<hbm>>
      %dma_start3A_323 = arith.constant 0 : i32
      %dma_start3A_324 = tpu.memref_slice %arg3[%dma_start3A_323, %mul3A_2] : memref<200x4096xi32, #tpu.memory_space<hbm>> -> memref<200x128xi32, #tpu.memory_space<hbm>>
      tpu.enqueue_dma source(%dma_start3A_324 : memref<200x128xi32, #tpu.memory_space<hbm>>) target(%arg5 : memref<200x128xi32, #tpu.memory_space<vmem>>) target_semaphore(%run_scoped3A : memref<!tpu.dma_semaphore, #tpu.memory_space<semaphore_mem>>)
      %dma_wait3A_325 = arith.constant 0 : i32
      %dma_wait3A_326 = tpu.memref_slice %arg3[%dma_wait3A_325, %mul3A_2] : memref<200x4096xi32, #tpu.memory_space<hbm>> -> memref<200x128xi32, #tpu.memory_space<hbm>>
      %dma_wait3A_327 = arith.constant 0 : i32
      %dma_wait3A_328 = tpu.memref_slice %arg3[%dma_wait3A_327, %mul3A_2] : memref<200x4096xi32, #tpu.memory_space<hbm>> -> memref<200x128xi32, #tpu.memory_space<hbm>>
      tpu.wait_dma2 semaphore(%run_scoped3A : memref<!tpu.dma_semaphore, #tpu.memory_space<semaphore_mem>>) src(%dma_wait3A_328 : memref<200x128xi32, #tpu.memory_space<hbm>>) dst(%arg5 : memref<200x128xi32, #tpu.memory_space<vmem>>)
      tpu.yield
    }) : () -> ()
    %dma_start3A = arith.constant 0 : i32
    %dma_start3A_3 = arith.constant 0 : i32
    %dma_start3A_4 = arith.constant 0 : i32
    %dma_start3A_5 = arith.constant 0 : i32
    %dma_start3A_6 = tpu.memref_slice %arg6[%dma_start3A_3, %dma_start3A_4, %dma_start3A_5] : memref<5x128x64xf32, #tpu.memory_space<vmem>> -> memref<1x128x64xf32, #tpu.memory_space<vmem>>
    %dma_start3A_7 = tpu.memref_squeeze %dma_start3A_6 : memref<1x128x64xf32, #tpu.memory_space<vmem>> -> memref<128x64xf32, #tpu.memory_space<vmem>>
    %dma_start3A_8 = arith.constant 0 : i32
    %dma_start3A_9 = tpu.memref_slice %arg5[%dma_start3A, %dma_start3A_8] : memref<200x128xi32, #tpu.memory_space<vmem>> -> memref<1x128xi32, #tpu.memory_space<vmem>>
    %dma_start3A_10 = tpu.memref_squeeze %dma_start3A_9 : memref<1x128xi32, #tpu.memory_space<vmem>> -> memref<128xi32, #tpu.memory_space<vmem>>
    %dma_start3A_11 = arith.constant 0 : i32
    %dma_start3A_12 = arith.constant 0 : i32
    %dma_start3A_13 = tpu.memref_slice %arg2[%dma_start3A_11, %dma_start3A_12] : memref<1000000x64xf32, #tpu.memory_space<hbm>> -> memref<1000000x64xf32, #tpu.memory_space<hbm>>
    tpu.enqueue_indirect_dma source(%dma_start3A_13 : memref<1000000x64xf32, #tpu.memory_space<hbm>>) target(%dma_start3A_7 : memref<128x64xf32, #tpu.memory_space<vmem>>) offsets(%dma_start3A_10 : memref<128xi32, #tpu.memory_space<vmem>>) semaphore(%arg7 : memref<!tpu.dma_semaphore, #tpu.memory_space<semaphore_mem>>)
    %dma_start3A_14 = arith.constant 1 : i32
    %dma_start3A_15 = arith.constant 1 : i32
    %dma_start3A_16 = arith.constant 0 : i32
    %dma_start3A_17 = arith.constant 0 : i32
    %dma_start3A_18 = tpu.memref_slice %arg6[%dma_start3A_15, %dma_start3A_16, %dma_start3A_17] : memref<5x128x64xf32, #tpu.memory_space<vmem>> -> memref<1x128x64xf32, #tpu.memory_space<vmem>>
    %dma_start3A_19 = tpu.memref_squeeze %dma_start3A_18 : memref<1x128x64xf32, #tpu.memory_space<vmem>> -> memref<128x64xf32, #tpu.memory_space<vmem>>
    %dma_start3A_20 = arith.constant 0 : i32
    %dma_start3A_21 = tpu.memref_slice %arg5[%dma_start3A_14, %dma_start3A_20] : memref<200x128xi32, #tpu.memory_space<vmem>> -> memref<1x128xi32, #tpu.memory_space<vmem>>
    %dma_start3A_22 = tpu.memref_squeeze %dma_start3A_21 : memref<1x128xi32, #tpu.memory_space<vmem>> -> memref<128xi32, #tpu.memory_space<vmem>>
    %dma_start3A_23 = arith.constant 0 : i32
    %dma_start3A_24 = arith.constant 0 : i32
    %dma_start3A_25 = tpu.memref_slice %arg2[%dma_start3A_23, %dma_start3A_24] : memref<1000000x64xf32, #tpu.memory_space<hbm>> -> memref<1000000x64xf32, #tpu.memory_space<hbm>>
    tpu.enqueue_indirect_dma source(%dma_start3A_25 : memref<1000000x64xf32, #tpu.memory_space<hbm>>) target(%dma_start3A_19 : memref<128x64xf32, #tpu.memory_space<vmem>>) offsets(%dma_start3A_22 : memref<128xi32, #tpu.memory_space<vmem>>) semaphore(%arg8 : memref<!tpu.dma_semaphore, #tpu.memory_space<semaphore_mem>>)
    %dma_start3A_26 = arith.constant 2 : i32
    %dma_start3A_27 = arith.constant 2 : i32
    %dma_start3A_28 = arith.constant 0 : i32
    %dma_start3A_29 = arith.constant 0 : i32
    %dma_start3A_30 = tpu.memref_slice %arg6[%dma_start3A_27, %dma_start3A_28, %dma_start3A_29] : memref<5x128x64xf32, #tpu.memory_space<vmem>> -> memref<1x128x64xf32, #tpu.memory_space<vmem>>
    %dma_start3A_31 = tpu.memref_squeeze %dma_start3A_30 : memref<1x128x64xf32, #tpu.memory_space<vmem>> -> memref<128x64xf32, #tpu.memory_space<vmem>>
    %dma_start3A_32 = arith.constant 0 : i32
    %dma_start3A_33 = tpu.memref_slice %arg5[%dma_start3A_26, %dma_start3A_32] : memref<200x128xi32, #tpu.memory_space<vmem>> -> memref<1x128xi32, #tpu.memory_space<vmem>>
    %dma_start3A_34 = tpu.memref_squeeze %dma_start3A_33 : memref<1x128xi32, #tpu.memory_space<vmem>> -> memref<128xi32, #tpu.memory_space<vmem>>
    %dma_start3A_35 = arith.constant 0 : i32
    %dma_start3A_36 = arith.constant 0 : i32
    %dma_start3A_37 = tpu.memref_slice %arg2[%dma_start3A_35, %dma_start3A_36] : memref<1000000x64xf32, #tpu.memory_space<hbm>> -> memref<1000000x64xf32, #tpu.memory_space<hbm>>
    tpu.enqueue_indirect_dma source(%dma_start3A_37 : memref<1000000x64xf32, #tpu.memory_space<hbm>>) target(%dma_start3A_31 : memref<128x64xf32, #tpu.memory_space<vmem>>) offsets(%dma_start3A_34 : memref<128xi32, #tpu.memory_space<vmem>>) semaphore(%arg9 : memref<!tpu.dma_semaphore, #tpu.memory_space<semaphore_mem>>)
    %dma_wait3A = arith.constant 0 : i32
    %dma_wait3A_38 = arith.constant 0 : i32
    %dma_wait3A_39 = arith.constant 0 : i32
    %dma_wait3A_40 = tpu.memref_slice %arg6[%dma_wait3A, %dma_wait3A_38, %dma_wait3A_39] : memref<5x128x64xf32, #tpu.memory_space<vmem>> -> memref<1x128x64xf32, #tpu.memory_space<vmem>>
    %dma_wait3A_41 = tpu.memref_squeeze %dma_wait3A_40 : memref<1x128x64xf32, #tpu.memory_space<vmem>> -> memref<128x64xf32, #tpu.memory_space<vmem>>
    %dma_wait3A_42 = arith.constant 0 : i32
    %dma_wait3A_43 = arith.constant 0 : i32
    %dma_wait3A_44 = tpu.memref_slice %arg2[%dma_wait3A_42, %dma_wait3A_43] : memref<1000000x64xf32, #tpu.memory_space<hbm>> -> memref<128x64xf32, #tpu.memory_space<hbm>>
    %dma_wait3A_45 = arith.constant 0 : i32
    %dma_wait3A_46 = arith.constant 0 : i32
    %dma_wait3A_47 = tpu.memref_slice %arg6[%dma_wait3A, %dma_wait3A_45, %dma_wait3A_46] : memref<5x128x64xf32, #tpu.memory_space<vmem>> -> memref<1x128x64xf32, #tpu.memory_space<vmem>>
    %dma_wait3A_48 = tpu.memref_squeeze %dma_wait3A_47 : memref<1x128x64xf32, #tpu.memory_space<vmem>> -> memref<128x64xf32, #tpu.memory_space<vmem>>
    %dma_wait3A_49 = arith.constant 0 : i32
    %dma_wait3A_50 = arith.constant 0 : i32
    %dma_wait3A_51 = tpu.memref_slice %arg2[%dma_wait3A_49, %dma_wait3A_50] : memref<1000000x64xf32, #tpu.memory_space<hbm>> -> memref<128x64xf32, #tpu.memory_space<hbm>>
    tpu.wait_dma2 semaphore(%arg7 : memref<!tpu.dma_semaphore, #tpu.memory_space<semaphore_mem>>) src(%dma_wait3A_51 : memref<128x64xf32, #tpu.memory_space<hbm>>) dst(%dma_wait3A_48 : memref<128x64xf32, #tpu.memory_space<vmem>>)
    %mul3A_52 = arith.constant 128 : i32
    %mul3A_53 = arith.muli %add3A, %mul3A_52 : i32
    %dma_start3A_54 = arith.constant 0 : i32
    %dma_start3A_55 = arith.constant 0 : i32
    %dma_start3A_56 = arith.constant 0 : i32
    %dma_start3A_57 = arith.constant 0 : i32
    %dma_start3A_58 = tpu.memref_slice %arg6[%dma_start3A_54, %dma_start3A_56, %dma_start3A_57] : memref<5x128x64xf32, #tpu.memory_space<vmem>> -> memref<1x128x64xf32, #tpu.memory_space<vmem>>
    %dma_start3A_59 = tpu.memref_squeeze %dma_start3A_58 : memref<1x128x64xf32, #tpu.memory_space<vmem>> -> memref<128x64xf32, #tpu.memory_space<vmem>>
    %dma_start3A_60 = arith.constant 0 : i32
    %dma_start3A_61 = tpu.memref_slice %arg4[%dma_start3A_55, %mul3A_53, %dma_start3A_60] : memref<200x4096x64xf32, #tpu.memory_space<hbm>> -> memref<1x128x64xf32, #tpu.memory_space<hbm>>
    %dma_start3A_62 = tpu.memref_squeeze %dma_start3A_61 : memref<1x128x64xf32, #tpu.memory_space<hbm>> -> memref<128x64xf32, #tpu.memory_space<hbm>>
    %dma_start3A_63 = arith.constant 0 : i32
    %dma_start3A_64 = tpu.memref_slice %arg4[%dma_start3A_55, %mul3A_53, %dma_start3A_63] : memref<200x4096x64xf32, #tpu.memory_space<hbm>> -> memref<1x128x64xf32, #tpu.memory_space<hbm>>
    %dma_start3A_65 = tpu.memref_squeeze %dma_start3A_64 : memref<1x128x64xf32, #tpu.memory_space<hbm>> -> memref<128x64xf32, #tpu.memory_space<hbm>>
    %dma_start3A_66 = arith.constant 0 : i32
    %dma_start3A_67 = arith.constant 0 : i32
    %dma_start3A_68 = tpu.memref_slice %arg6[%dma_start3A_54, %dma_start3A_66, %dma_start3A_67] : memref<5x128x64xf32, #tpu.memory_space<vmem>> -> memref<1x128x64xf32, #tpu.memory_space<vmem>>
    %dma_start3A_69 = tpu.memref_squeeze %dma_start3A_68 : memref<1x128x64xf32, #tpu.memory_space<vmem>> -> memref<128x64xf32, #tpu.memory_space<vmem>>
    tpu.enqueue_dma source(%dma_start3A_69 : memref<128x64xf32, #tpu.memory_space<vmem>>) target(%dma_start3A_65 : memref<128x64xf32, #tpu.memory_space<hbm>>) target_semaphore(%arg12 : memref<!tpu.dma_semaphore, #tpu.memory_space<semaphore_mem>>)
    %dma_start3A_70 = arith.constant 3 : i32
    %dma_start3A_71 = arith.constant 3 : i32
    %dma_start3A_72 = arith.constant 0 : i32
    %dma_start3A_73 = arith.constant 0 : i32
    %dma_start3A_74 = tpu.memref_slice %arg6[%dma_start3A_71, %dma_start3A_72, %dma_start3A_73] : memref<5x128x64xf32, #tpu.memory_space<vmem>> -> memref<1x128x64xf32, #tpu.memory_space<vmem>>
    %dma_start3A_75 = tpu.memref_squeeze %dma_start3A_74 : memref<1x128x64xf32, #tpu.memory_space<vmem>> -> memref<128x64xf32, #tpu.memory_space<vmem>>
    %dma_start3A_76 = arith.constant 0 : i32
    %dma_start3A_77 = tpu.memref_slice %arg5[%dma_start3A_70, %dma_start3A_76] : memref<200x128xi32, #tpu.memory_space<vmem>> -> memref<1x128xi32, #tpu.memory_space<vmem>>
    %dma_start3A_78 = tpu.memref_squeeze %dma_start3A_77 : memref<1x128xi32, #tpu.memory_space<vmem>> -> memref<128xi32, #tpu.memory_space<vmem>>
    %dma_start3A_79 = arith.constant 0 : i32
    %dma_start3A_80 = arith.constant 0 : i32
    %dma_start3A_81 = tpu.memref_slice %arg2[%dma_start3A_79, %dma_start3A_80] : memref<1000000x64xf32, #tpu.memory_space<hbm>> -> memref<1000000x64xf32, #tpu.memory_space<hbm>>
    tpu.enqueue_indirect_dma source(%dma_start3A_81 : memref<1000000x64xf32, #tpu.memory_space<hbm>>) target(%dma_start3A_75 : memref<128x64xf32, #tpu.memory_space<vmem>>) offsets(%dma_start3A_78 : memref<128xi32, #tpu.memory_space<vmem>>) semaphore(%arg10 : memref<!tpu.dma_semaphore, #tpu.memory_space<semaphore_mem>>)
    %dma_wait3A_82 = arith.constant 1 : i32
    %dma_wait3A_83 = arith.constant 0 : i32
    %dma_wait3A_84 = arith.constant 0 : i32
    %dma_wait3A_85 = tpu.memref_slice %arg6[%dma_wait3A_82, %dma_wait3A_83, %dma_wait3A_84] : memref<5x128x64xf32, #tpu.memory_space<vmem>> -> memref<1x128x64xf32, #tpu.memory_space<vmem>>
    %dma_wait3A_86 = tpu.memref_squeeze %dma_wait3A_85 : memref<1x128x64xf32, #tpu.memory_space<vmem>> -> memref<128x64xf32, #tpu.memory_space<vmem>>
    %dma_wait3A_87 = arith.constant 0 : i32
    %dma_wait3A_88 = arith.constant 0 : i32
    %dma_wait3A_89 = tpu.memref_slice %arg2[%dma_wait3A_87, %dma_wait3A_88] : memref<1000000x64xf32, #tpu.memory_space<hbm>> -> memref<128x64xf32, #tpu.memory_space<hbm>>
    %dma_wait3A_90 = arith.constant 0 : i32
    %dma_wait3A_91 = arith.constant 0 : i32
    %dma_wait3A_92 = tpu.memref_slice %arg6[%dma_wait3A_82, %dma_wait3A_90, %dma_wait3A_91] : memref<5x128x64xf32, #tpu.memory_space<vmem>> -> memref<1x128x64xf32, #tpu.memory_space<vmem>>
    %dma_wait3A_93 = tpu.memref_squeeze %dma_wait3A_92 : memref<1x128x64xf32, #tpu.memory_space<vmem>> -> memref<128x64xf32, #tpu.memory_space<vmem>>
    %dma_wait3A_94 = arith.constant 0 : i32
    %dma_wait3A_95 = arith.constant 0 : i32
    %dma_wait3A_96 = tpu.memref_slice %arg2[%dma_wait3A_94, %dma_wait3A_95] : memref<1000000x64xf32, #tpu.memory_space<hbm>> -> memref<128x64xf32, #tpu.memory_space<hbm>>
    tpu.wait_dma2 semaphore(%arg8 : memref<!tpu.dma_semaphore, #tpu.memory_space<semaphore_mem>>) src(%dma_wait3A_96 : memref<128x64xf32, #tpu.memory_space<hbm>>) dst(%dma_wait3A_93 : memref<128x64xf32, #tpu.memory_space<vmem>>)
    %mul3A_97 = arith.constant 128 : i32
    %mul3A_98 = arith.muli %add3A, %mul3A_97 : i32
    %dma_start3A_99 = arith.constant 1 : i32
    %dma_start3A_100 = arith.constant 1 : i32
    %dma_start3A_101 = arith.constant 0 : i32
    %dma_start3A_102 = arith.constant 0 : i32
    %dma_start3A_103 = tpu.memref_slice %arg6[%dma_start3A_99, %dma_start3A_101, %dma_start3A_102] : memref<5x128x64xf32, #tpu.memory_space<vmem>> -> memref<1x128x64xf32, #tpu.memory_space<vmem>>
    %dma_start3A_104 = tpu.memref_squeeze %dma_start3A_103 : memref<1x128x64xf32, #tpu.memory_space<vmem>> -> memref<128x64xf32, #tpu.memory_space<vmem>>
    %dma_start3A_105 = arith.constant 0 : i32
    %dma_start3A_106 = tpu.memref_slice %arg4[%dma_start3A_100, %mul3A_98, %dma_start3A_105] : memref<200x4096x64xf32, #tpu.memory_space<hbm>> -> memref<1x128x64xf32, #tpu.memory_space<hbm>>
    %dma_start3A_107 = tpu.memref_squeeze %dma_start3A_106 : memref<1x128x64xf32, #tpu.memory_space<hbm>> -> memref<128x64xf32, #tpu.memory_space<hbm>>
    %dma_start3A_108 = arith.constant 0 : i32
    %dma_start3A_109 = tpu.memref_slice %arg4[%dma_start3A_100, %mul3A_98, %dma_start3A_108] : memref<200x4096x64xf32, #tpu.memory_space<hbm>> -> memref<1x128x64xf32, #tpu.memory_space<hbm>>
    %dma_start3A_110 = tpu.memref_squeeze %dma_start3A_109 : memref<1x128x64xf32, #tpu.memory_space<hbm>> -> memref<128x64xf32, #tpu.memory_space<hbm>>
    %dma_start3A_111 = arith.constant 0 : i32
    %dma_start3A_112 = arith.constant 0 : i32
    %dma_start3A_113 = tpu.memref_slice %arg6[%dma_start3A_99, %dma_start3A_111, %dma_start3A_112] : memref<5x128x64xf32, #tpu.memory_space<vmem>> -> memref<1x128x64xf32, #tpu.memory_space<vmem>>
    %dma_start3A_114 = tpu.memref_squeeze %dma_start3A_113 : memref<1x128x64xf32, #tpu.memory_space<vmem>> -> memref<128x64xf32, #tpu.memory_space<vmem>>
    tpu.enqueue_dma source(%dma_start3A_114 : memref<128x64xf32, #tpu.memory_space<vmem>>) target(%dma_start3A_110 : memref<128x64xf32, #tpu.memory_space<hbm>>) target_semaphore(%arg13 : memref<!tpu.dma_semaphore, #tpu.memory_space<semaphore_mem>>)
    %dma_start3A_115 = arith.constant 4 : i32
    %dma_start3A_116 = arith.constant 4 : i32
    %dma_start3A_117 = arith.constant 0 : i32
    %dma_start3A_118 = arith.constant 0 : i32
    %dma_start3A_119 = tpu.memref_slice %arg6[%dma_start3A_116, %dma_start3A_117, %dma_start3A_118] : memref<5x128x64xf32, #tpu.memory_space<vmem>> -> memref<1x128x64xf32, #tpu.memory_space<vmem>>
    %dma_start3A_120 = tpu.memref_squeeze %dma_start3A_119 : memref<1x128x64xf32, #tpu.memory_space<vmem>> -> memref<128x64xf32, #tpu.memory_space<vmem>>
    %dma_start3A_121 = arith.constant 0 : i32
    %dma_start3A_122 = tpu.memref_slice %arg5[%dma_start3A_115, %dma_start3A_121] : memref<200x128xi32, #tpu.memory_space<vmem>> -> memref<1x128xi32, #tpu.memory_space<vmem>>
    %dma_start3A_123 = tpu.memref_squeeze %dma_start3A_122 : memref<1x128xi32, #tpu.memory_space<vmem>> -> memref<128xi32, #tpu.memory_space<vmem>>
    %dma_start3A_124 = arith.constant 0 : i32
    %dma_start3A_125 = arith.constant 0 : i32
    %dma_start3A_126 = tpu.memref_slice %arg2[%dma_start3A_124, %dma_start3A_125] : memref<1000000x64xf32, #tpu.memory_space<hbm>> -> memref<1000000x64xf32, #tpu.memory_space<hbm>>
    tpu.enqueue_indirect_dma source(%dma_start3A_126 : memref<1000000x64xf32, #tpu.memory_space<hbm>>) target(%dma_start3A_120 : memref<128x64xf32, #tpu.memory_space<vmem>>) offsets(%dma_start3A_123 : memref<128xi32, #tpu.memory_space<vmem>>) semaphore(%arg11 : memref<!tpu.dma_semaphore, #tpu.memory_space<semaphore_mem>>)
    %scan3A = arith.constant 0 : i32
    %scan3A_127 = arith.constant 0 : i32
    %scan3A_128 = arith.constant 39 : i32
    %scan3A_129 = arith.addi %scan3A_127, %scan3A_128 : i32
    %scan3A_130 = arith.constant 1 : i32
    scf.for %scan3A_321 = %scan3A_127 to %scan3A_129 step %scan3A_130  : i32 {
      %mul3A_322 = arith.constant 5 : i32
      %mul3A_323 = arith.muli %mul3A_322, %scan3A_321 : i32
      %add3A_324 = arith.constant 2 : i32
      %add3A_325 = arith.addi %add3A_324, %mul3A_323 : i32
      %add3A_326 = arith.constant 0 : i32
      %add3A_327 = arith.addi %add3A_325, %add3A_326 : i32
      %dma_wait3A_328 = arith.constant 2 : i32
      %dma_wait3A_329 = arith.constant 0 : i32
      %dma_wait3A_330 = arith.constant 0 : i32
      %dma_wait3A_331 = tpu.memref_slice %arg6[%dma_wait3A_328, %dma_wait3A_329, %dma_wait3A_330] : memref<5x128x64xf32, #tpu.memory_space<vmem>> -> memref<1x128x64xf32, #tpu.memory_space<vmem>>
      %dma_wait3A_332 = tpu.memref_squeeze %dma_wait3A_331 : memref<1x128x64xf32, #tpu.memory_space<vmem>> -> memref<128x64xf32, #tpu.memory_space<vmem>>
      %dma_wait3A_333 = arith.constant 0 : i32
      %dma_wait3A_334 = arith.constant 0 : i32
      %dma_wait3A_335 = tpu.memref_slice %arg2[%dma_wait3A_333, %dma_wait3A_334] : memref<1000000x64xf32, #tpu.memory_space<hbm>> -> memref<128x64xf32, #tpu.memory_space<hbm>>
      %dma_wait3A_336 = arith.constant 0 : i32
      %dma_wait3A_337 = arith.constant 0 : i32
      %dma_wait3A_338 = tpu.memref_slice %arg6[%dma_wait3A_328, %dma_wait3A_336, %dma_wait3A_337] : memref<5x128x64xf32, #tpu.memory_space<vmem>> -> memref<1x128x64xf32, #tpu.memory_space<vmem>>
      %dma_wait3A_339 = tpu.memref_squeeze %dma_wait3A_338 : memref<1x128x64xf32, #tpu.memory_space<vmem>> -> memref<128x64xf32, #tpu.memory_space<vmem>>
      %dma_wait3A_340 = arith.constant 0 : i32
      %dma_wait3A_341 = arith.constant 0 : i32
      %dma_wait3A_342 = tpu.memref_slice %arg2[%dma_wait3A_340, %dma_wait3A_341] : memref<1000000x64xf32, #tpu.memory_space<hbm>> -> memref<128x64xf32, #tpu.memory_space<hbm>>
      tpu.wait_dma2 semaphore(%arg9 : memref<!tpu.dma_semaphore, #tpu.memory_space<semaphore_mem>>) src(%dma_wait3A_342 : memref<128x64xf32, #tpu.memory_space<hbm>>) dst(%dma_wait3A_339 : memref<128x64xf32, #tpu.memory_space<vmem>>)
      %mul3A_343 = arith.constant 128 : i32
      %mul3A_344 = arith.muli %add3A, %mul3A_343 : i32
      %dma_start3A_345 = arith.constant 2 : i32
      %dma_start3A_346 = arith.constant 0 : i32
      %dma_start3A_347 = arith.constant 0 : i32
      %dma_start3A_348 = tpu.memref_slice %arg6[%dma_start3A_345, %dma_start3A_346, %dma_start3A_347] : memref<5x128x64xf32, #tpu.memory_space<vmem>> -> memref<1x128x64xf32, #tpu.memory_space<vmem>>
      %dma_start3A_349 = tpu.memref_squeeze %dma_start3A_348 : memref<1x128x64xf32, #tpu.memory_space<vmem>> -> memref<128x64xf32, #tpu.memory_space<vmem>>
      %dma_start3A_350 = arith.constant 0 : i32
      %dma_start3A_351 = tpu.memref_slice %arg4[%add3A_327, %mul3A_344, %dma_start3A_350] : memref<200x4096x64xf32, #tpu.memory_space<hbm>> -> memref<1x128x64xf32, #tpu.memory_space<hbm>>
      %dma_start3A_352 = tpu.memref_squeeze %dma_start3A_351 : memref<1x128x64xf32, #tpu.memory_space<hbm>> -> memref<128x64xf32, #tpu.memory_space<hbm>>
      %dma_start3A_353 = arith.constant 0 : i32
      %dma_start3A_354 = tpu.memref_slice %arg4[%add3A_327, %mul3A_344, %dma_start3A_353] : memref<200x4096x64xf32, #tpu.memory_space<hbm>> -> memref<1x128x64xf32, #tpu.memory_space<hbm>>
      %dma_start3A_355 = tpu.memref_squeeze %dma_start3A_354 : memref<1x128x64xf32, #tpu.memory_space<hbm>> -> memref<128x64xf32, #tpu.memory_space<hbm>>
      %dma_start3A_356 = arith.constant 0 : i32
      %dma_start3A_357 = arith.constant 0 : i32
      %dma_start3A_358 = tpu.memref_slice %arg6[%dma_start3A_345, %dma_start3A_356, %dma_start3A_357] : memref<5x128x64xf32, #tpu.memory_space<vmem>> -> memref<1x128x64xf32, #tpu.memory_space<vmem>>
      %dma_start3A_359 = tpu.memref_squeeze %dma_start3A_358 : memref<1x128x64xf32, #tpu.memory_space<vmem>> -> memref<128x64xf32, #tpu.memory_space<vmem>>
      tpu.enqueue_dma source(%dma_start3A_359 : memref<128x64xf32, #tpu.memory_space<vmem>>) target(%dma_start3A_355 : memref<128x64xf32, #tpu.memory_space<hbm>>) target_semaphore(%arg14 : memref<!tpu.dma_semaphore, #tpu.memory_space<semaphore_mem>>)
      %dma_wait3A_360 = arith.constant 0 : i32
      %dma_wait3A_361 = arith.constant 0 : i32
      %dma_wait3A_362 = arith.constant 0 : i32
      %dma_wait3A_363 = arith.constant 0 : i32
      %dma_wait3A_364 = tpu.memref_slice %arg6[%dma_wait3A_360, %dma_wait3A_362, %dma_wait3A_363] : memref<5x128x64xf32, #tpu.memory_space<vmem>> -> memref<1x128x64xf32, #tpu.memory_space<vmem>>
      %dma_wait3A_365 = tpu.memref_squeeze %dma_wait3A_364 : memref<1x128x64xf32, #tpu.memory_space<vmem>> -> memref<128x64xf32, #tpu.memory_space<vmem>>
      %dma_wait3A_366 = arith.constant 0 : i32
      %dma_wait3A_367 = arith.constant 0 : i32
      %dma_wait3A_368 = tpu.memref_slice %arg4[%dma_wait3A_361, %dma_wait3A_366, %dma_wait3A_367] : memref<200x4096x64xf32, #tpu.memory_space<hbm>> -> memref<1x128x64xf32, #tpu.memory_space<hbm>>
      %dma_wait3A_369 = tpu.memref_squeeze %dma_wait3A_368 : memref<1x128x64xf32, #tpu.memory_space<hbm>> -> memref<128x64xf32, #tpu.memory_space<hbm>>
      %dma_wait3A_370 = arith.constant 0 : i32
      %dma_wait3A_371 = arith.constant 0 : i32
      %dma_wait3A_372 = tpu.memref_slice %arg4[%dma_wait3A_361, %dma_wait3A_370, %dma_wait3A_371] : memref<200x4096x64xf32, #tpu.memory_space<hbm>> -> memref<1x128x64xf32, #tpu.memory_space<hbm>>
      %dma_wait3A_373 = tpu.memref_squeeze %dma_wait3A_372 : memref<1x128x64xf32, #tpu.memory_space<hbm>> -> memref<128x64xf32, #tpu.memory_space<hbm>>
      %dma_wait3A_374 = arith.constant 0 : i32
      %dma_wait3A_375 = arith.constant 0 : i32
      %dma_wait3A_376 = tpu.memref_slice %arg6[%dma_wait3A_360, %dma_wait3A_374, %dma_wait3A_375] : memref<5x128x64xf32, #tpu.memory_space<vmem>> -> memref<1x128x64xf32, #tpu.memory_space<vmem>>
      %dma_wait3A_377 = tpu.memref_squeeze %dma_wait3A_376 : memref<1x128x64xf32, #tpu.memory_space<vmem>> -> memref<128x64xf32, #tpu.memory_space<vmem>>
      tpu.wait_dma2 semaphore(%arg12 : memref<!tpu.dma_semaphore, #tpu.memory_space<semaphore_mem>>) src(%dma_wait3A_377 : memref<128x64xf32, #tpu.memory_space<vmem>>) dst(%dma_wait3A_373 : memref<128x64xf32, #tpu.memory_space<hbm>>)
      %add3A_378 = arith.constant 3 : i32
      %add3A_379 = arith.addi %add3A_327, %add3A_378 : i32
      %dma_start3A_380 = arith.constant 0 : i32
      %dma_start3A_381 = arith.constant 0 : i32
      %dma_start3A_382 = arith.constant 0 : i32
      %dma_start3A_383 = tpu.memref_slice %arg6[%dma_start3A_380, %dma_start3A_381, %dma_start3A_382] : memref<5x128x64xf32, #tpu.memory_space<vmem>> -> memref<1x128x64xf32, #tpu.memory_space<vmem>>
      %dma_start3A_384 = tpu.memref_squeeze %dma_start3A_383 : memref<1x128x64xf32, #tpu.memory_space<vmem>> -> memref<128x64xf32, #tpu.memory_space<vmem>>
      %dma_start3A_385 = arith.constant 0 : i32
      %dma_start3A_386 = tpu.memref_slice %arg5[%add3A_379, %dma_start3A_385] : memref<200x128xi32, #tpu.memory_space<vmem>> -> memref<1x128xi32, #tpu.memory_space<vmem>>
      %dma_start3A_387 = tpu.memref_squeeze %dma_start3A_386 : memref<1x128xi32, #tpu.memory_space<vmem>> -> memref<128xi32, #tpu.memory_space<vmem>>
      %dma_start3A_388 = arith.constant 0 : i32
      %dma_start3A_389 = arith.constant 0 : i32
      %dma_start3A_390 = tpu.memref_slice %arg2[%dma_start3A_388, %dma_start3A_389] : memref<1000000x64xf32, #tpu.memory_space<hbm>> -> memref<1000000x64xf32, #tpu.memory_space<hbm>>
      tpu.enqueue_indirect_dma source(%dma_start3A_390 : memref<1000000x64xf32, #tpu.memory_space<hbm>>) target(%dma_start3A_384 : memref<128x64xf32, #tpu.memory_space<vmem>>) offsets(%dma_start3A_387 : memref<128xi32, #tpu.memory_space<vmem>>) semaphore(%arg7 : memref<!tpu.dma_semaphore, #tpu.memory_space<semaphore_mem>>)
      %add3A_391 = arith.constant 1 : i32
      %add3A_392 = arith.addi %add3A_325, %add3A_391 : i32
      %dma_wait3A_393 = arith.constant 3 : i32
      %dma_wait3A_394 = arith.constant 0 : i32
      %dma_wait3A_395 = arith.constant 0 : i32
      %dma_wait3A_396 = tpu.memref_slice %arg6[%dma_wait3A_393, %dma_wait3A_394, %dma_wait3A_395] : memref<5x128x64xf32, #tpu.memory_space<vmem>> -> memref<1x128x64xf32, #tpu.memory_space<vmem>>
      %dma_wait3A_397 = tpu.memref_squeeze %dma_wait3A_396 : memref<1x128x64xf32, #tpu.memory_space<vmem>> -> memref<128x64xf32, #tpu.memory_space<vmem>>
      %dma_wait3A_398 = arith.constant 0 : i32
      %dma_wait3A_399 = arith.constant 0 : i32
      %dma_wait3A_400 = tpu.memref_slice %arg2[%dma_wait3A_398, %dma_wait3A_399] : memref<1000000x64xf32, #tpu.memory_space<hbm>> -> memref<128x64xf32, #tpu.memory_space<hbm>>
      %dma_wait3A_401 = arith.constant 0 : i32
      %dma_wait3A_402 = arith.constant 0 : i32
      %dma_wait3A_403 = tpu.memref_slice %arg6[%dma_wait3A_393, %dma_wait3A_401, %dma_wait3A_402] : memref<5x128x64xf32, #tpu.memory_space<vmem>> -> memref<1x128x64xf32, #tpu.memory_space<vmem>>
      %dma_wait3A_404 = tpu.memref_squeeze %dma_wait3A_403 : memref<1x128x64xf32, #tpu.memory_space<vmem>> -> memref<128x64xf32, #tpu.memory_space<vmem>>
      %dma_wait3A_405 = arith.constant 0 : i32
      %dma_wait3A_406 = arith.constant 0 : i32
      %dma_wait3A_407 = tpu.memref_slice %arg2[%dma_wait3A_405, %dma_wait3A_406] : memref<1000000x64xf32, #tpu.memory_space<hbm>> -> memref<128x64xf32, #tpu.memory_space<hbm>>
      tpu.wait_dma2 semaphore(%arg10 : memref<!tpu.dma_semaphore, #tpu.memory_space<semaphore_mem>>) src(%dma_wait3A_407 : memref<128x64xf32, #tpu.memory_space<hbm>>) dst(%dma_wait3A_404 : memref<128x64xf32, #tpu.memory_space<vmem>>)
      %mul3A_408 = arith.constant 128 : i32
      %mul3A_409 = arith.muli %add3A, %mul3A_408 : i32
      %dma_start3A_410 = arith.constant 3 : i32
      %dma_start3A_411 = arith.constant 0 : i32
      %dma_start3A_412 = arith.constant 0 : i32
      %dma_start3A_413 = tpu.memref_slice %arg6[%dma_start3A_410, %dma_start3A_411, %dma_start3A_412] : memref<5x128x64xf32, #tpu.memory_space<vmem>> -> memref<1x128x64xf32, #tpu.memory_space<vmem>>
      %dma_start3A_414 = tpu.memref_squeeze %dma_start3A_413 : memref<1x128x64xf32, #tpu.memory_space<vmem>> -> memref<128x64xf32, #tpu.memory_space<vmem>>
      %dma_start3A_415 = arith.constant 0 : i32
      %dma_start3A_416 = tpu.memref_slice %arg4[%add3A_392, %mul3A_409, %dma_start3A_415] : memref<200x4096x64xf32, #tpu.memory_space<hbm>> -> memref<1x128x64xf32, #tpu.memory_space<hbm>>
      %dma_start3A_417 = tpu.memref_squeeze %dma_start3A_416 : memref<1x128x64xf32, #tpu.memory_space<hbm>> -> memref<128x64xf32, #tpu.memory_space<hbm>>
      %dma_start3A_418 = arith.constant 0 : i32
      %dma_start3A_419 = tpu.memref_slice %arg4[%add3A_392, %mul3A_409, %dma_start3A_418] : memref<200x4096x64xf32, #tpu.memory_space<hbm>> -> memref<1x128x64xf32, #tpu.memory_space<hbm>>
      %dma_start3A_420 = tpu.memref_squeeze %dma_start3A_419 : memref<1x128x64xf32, #tpu.memory_space<hbm>> -> memref<128x64xf32, #tpu.memory_space<hbm>>
      %dma_start3A_421 = arith.constant 0 : i32
      %dma_start3A_422 = arith.constant 0 : i32
      %dma_start3A_423 = tpu.memref_slice %arg6[%dma_start3A_410, %dma_start3A_421, %dma_start3A_422] : memref<5x128x64xf32, #tpu.memory_space<vmem>> -> memref<1x128x64xf32, #tpu.memory_space<vmem>>
      %dma_start3A_424 = tpu.memref_squeeze %dma_start3A_423 : memref<1x128x64xf32, #tpu.memory_space<vmem>> -> memref<128x64xf32, #tpu.memory_space<vmem>>
      tpu.enqueue_dma source(%dma_start3A_424 : memref<128x64xf32, #tpu.memory_space<vmem>>) target(%dma_start3A_420 : memref<128x64xf32, #tpu.memory_space<hbm>>) target_semaphore(%arg15 : memref<!tpu.dma_semaphore, #tpu.memory_space<semaphore_mem>>)
      %dma_wait3A_425 = arith.constant 1 : i32
      %dma_wait3A_426 = arith.constant 0 : i32
      %dma_wait3A_427 = arith.constant 0 : i32
      %dma_wait3A_428 = arith.constant 0 : i32
      %dma_wait3A_429 = tpu.memref_slice %arg6[%dma_wait3A_425, %dma_wait3A_427, %dma_wait3A_428] : memref<5x128x64xf32, #tpu.memory_space<vmem>> -> memref<1x128x64xf32, #tpu.memory_space<vmem>>
      %dma_wait3A_430 = tpu.memref_squeeze %dma_wait3A_429 : memref<1x128x64xf32, #tpu.memory_space<vmem>> -> memref<128x64xf32, #tpu.memory_space<vmem>>
      %dma_wait3A_431 = arith.constant 0 : i32
      %dma_wait3A_432 = arith.constant 0 : i32
      %dma_wait3A_433 = tpu.memref_slice %arg4[%dma_wait3A_426, %dma_wait3A_431, %dma_wait3A_432] : memref<200x4096x64xf32, #tpu.memory_space<hbm>> -> memref<1x128x64xf32, #tpu.memory_space<hbm>>
      %dma_wait3A_434 = tpu.memref_squeeze %dma_wait3A_433 : memref<1x128x64xf32, #tpu.memory_space<hbm>> -> memref<128x64xf32, #tpu.memory_space<hbm>>
      %dma_wait3A_435 = arith.constant 0 : i32
      %dma_wait3A_436 = arith.constant 0 : i32
      %dma_wait3A_437 = tpu.memref_slice %arg4[%dma_wait3A_426, %dma_wait3A_435, %dma_wait3A_436] : memref<200x4096x64xf32, #tpu.memory_space<hbm>> -> memref<1x128x64xf32, #tpu.memory_space<hbm>>
      %dma_wait3A_438 = tpu.memref_squeeze %dma_wait3A_437 : memref<1x128x64xf32, #tpu.memory_space<hbm>> -> memref<128x64xf32, #tpu.memory_space<hbm>>
      %dma_wait3A_439 = arith.constant 0 : i32
      %dma_wait3A_440 = arith.constant 0 : i32
      %dma_wait3A_441 = tpu.memref_slice %arg6[%dma_wait3A_425, %dma_wait3A_439, %dma_wait3A_440] : memref<5x128x64xf32, #tpu.memory_space<vmem>> -> memref<1x128x64xf32, #tpu.memory_space<vmem>>
      %dma_wait3A_442 = tpu.memref_squeeze %dma_wait3A_441 : memref<1x128x64xf32, #tpu.memory_space<vmem>> -> memref<128x64xf32, #tpu.memory_space<vmem>>
      tpu.wait_dma2 semaphore(%arg13 : memref<!tpu.dma_semaphore, #tpu.memory_space<semaphore_mem>>) src(%dma_wait3A_442 : memref<128x64xf32, #tpu.memory_space<vmem>>) dst(%dma_wait3A_438 : memref<128x64xf32, #tpu.memory_space<hbm>>)
      %add3A_443 = arith.constant 3 : i32
      %add3A_444 = arith.addi %add3A_392, %add3A_443 : i32
      %dma_start3A_445 = arith.constant 1 : i32
      %dma_start3A_446 = arith.constant 0 : i32
      %dma_start3A_447 = arith.constant 0 : i32
      %dma_start3A_448 = tpu.memref_slice %arg6[%dma_start3A_445, %dma_start3A_446, %dma_start3A_447] : memref<5x128x64xf32, #tpu.memory_space<vmem>> -> memref<1x128x64xf32, #tpu.memory_space<vmem>>
      %dma_start3A_449 = tpu.memref_squeeze %dma_start3A_448 : memref<1x128x64xf32, #tpu.memory_space<vmem>> -> memref<128x64xf32, #tpu.memory_space<vmem>>
      %dma_start3A_450 = arith.constant 0 : i32
      %dma_start3A_451 = tpu.memref_slice %arg5[%add3A_444, %dma_start3A_450] : memref<200x128xi32, #tpu.memory_space<vmem>> -> memref<1x128xi32, #tpu.memory_space<vmem>>
      %dma_start3A_452 = tpu.memref_squeeze %dma_start3A_451 : memref<1x128xi32, #tpu.memory_space<vmem>> -> memref<128xi32, #tpu.memory_space<vmem>>
      %dma_start3A_453 = arith.constant 0 : i32
      %dma_start3A_454 = arith.constant 0 : i32
      %dma_start3A_455 = tpu.memref_slice %arg2[%dma_start3A_453, %dma_start3A_454] : memref<1000000x64xf32, #tpu.memory_space<hbm>> -> memref<1000000x64xf32, #tpu.memory_space<hbm>>
      tpu.enqueue_indirect_dma source(%dma_start3A_455 : memref<1000000x64xf32, #tpu.memory_space<hbm>>) target(%dma_start3A_449 : memref<128x64xf32, #tpu.memory_space<vmem>>) offsets(%dma_start3A_452 : memref<128xi32, #tpu.memory_space<vmem>>) semaphore(%arg8 : memref<!tpu.dma_semaphore, #tpu.memory_space<semaphore_mem>>)
      %add3A_456 = arith.constant 2 : i32
      %add3A_457 = arith.addi %add3A_325, %add3A_456 : i32
      %dma_wait3A_458 = arith.constant 4 : i32
      %dma_wait3A_459 = arith.constant 0 : i32
      %dma_wait3A_460 = arith.constant 0 : i32
      %dma_wait3A_461 = tpu.memref_slice %arg6[%dma_wait3A_458, %dma_wait3A_459, %dma_wait3A_460] : memref<5x128x64xf32, #tpu.memory_space<vmem>> -> memref<1x128x64xf32, #tpu.memory_space<vmem>>
      %dma_wait3A_462 = tpu.memref_squeeze %dma_wait3A_461 : memref<1x128x64xf32, #tpu.memory_space<vmem>> -> memref<128x64xf32, #tpu.memory_space<vmem>>
      %dma_wait3A_463 = arith.constant 0 : i32
      %dma_wait3A_464 = arith.constant 0 : i32
      %dma_wait3A_465 = tpu.memref_slice %arg2[%dma_wait3A_463, %dma_wait3A_464] : memref<1000000x64xf32, #tpu.memory_space<hbm>> -> memref<128x64xf32, #tpu.memory_space<hbm>>
      %dma_wait3A_466 = arith.constant 0 : i32
      %dma_wait3A_467 = arith.constant 0 : i32
      %dma_wait3A_468 = tpu.memref_slice %arg6[%dma_wait3A_458, %dma_wait3A_466, %dma_wait3A_467] : memref<5x128x64xf32, #tpu.memory_space<vmem>> -> memref<1x128x64xf32, #tpu.memory_space<vmem>>
      %dma_wait3A_469 = tpu.memref_squeeze %dma_wait3A_468 : memref<1x128x64xf32, #tpu.memory_space<vmem>> -> memref<128x64xf32, #tpu.memory_space<vmem>>
      %dma_wait3A_470 = arith.constant 0 : i32
      %dma_wait3A_471 = arith.constant 0 : i32
      %dma_wait3A_472 = tpu.memref_slice %arg2[%dma_wait3A_470, %dma_wait3A_471] : memref<1000000x64xf32, #tpu.memory_space<hbm>> -> memref<128x64xf32, #tpu.memory_space<hbm>>
      tpu.wait_dma2 semaphore(%arg11 : memref<!tpu.dma_semaphore, #tpu.memory_space<semaphore_mem>>) src(%dma_wait3A_472 : memref<128x64xf32, #tpu.memory_space<hbm>>) dst(%dma_wait3A_469 : memref<128x64xf32, #tpu.memory_space<vmem>>)
      %mul3A_473 = arith.constant 128 : i32
      %mul3A_474 = arith.muli %add3A, %mul3A_473 : i32
      %dma_start3A_475 = arith.constant 4 : i32
      %dma_start3A_476 = arith.constant 0 : i32
      %dma_start3A_477 = arith.constant 0 : i32
      %dma_start3A_478 = tpu.memref_slice %arg6[%dma_start3A_475, %dma_start3A_476, %dma_start3A_477] : memref<5x128x64xf32, #tpu.memory_space<vmem>> -> memref<1x128x64xf32, #tpu.memory_space<vmem>>
      %dma_start3A_479 = tpu.memref_squeeze %dma_start3A_478 : memref<1x128x64xf32, #tpu.memory_space<vmem>> -> memref<128x64xf32, #tpu.memory_space<vmem>>
      %dma_start3A_480 = arith.constant 0 : i32
      %dma_start3A_481 = tpu.memref_slice %arg4[%add3A_457, %mul3A_474, %dma_start3A_480] : memref<200x4096x64xf32, #tpu.memory_space<hbm>> -> memref<1x128x64xf32, #tpu.memory_space<hbm>>
      %dma_start3A_482 = tpu.memref_squeeze %dma_start3A_481 : memref<1x128x64xf32, #tpu.memory_space<hbm>> -> memref<128x64xf32, #tpu.memory_space<hbm>>
      %dma_start3A_483 = arith.constant 0 : i32
      %dma_start3A_484 = tpu.memref_slice %arg4[%add3A_457, %mul3A_474, %dma_start3A_483] : memref<200x4096x64xf32, #tpu.memory_space<hbm>> -> memref<1x128x64xf32, #tpu.memory_space<hbm>>
      %dma_start3A_485 = tpu.memref_squeeze %dma_start3A_484 : memref<1x128x64xf32, #tpu.memory_space<hbm>> -> memref<128x64xf32, #tpu.memory_space<hbm>>
      %dma_start3A_486 = arith.constant 0 : i32
      %dma_start3A_487 = arith.constant 0 : i32
      %dma_start3A_488 = tpu.memref_slice %arg6[%dma_start3A_475, %dma_start3A_486, %dma_start3A_487] : memref<5x128x64xf32, #tpu.memory_space<vmem>> -> memref<1x128x64xf32, #tpu.memory_space<vmem>>
      %dma_start3A_489 = tpu.memref_squeeze %dma_start3A_488 : memref<1x128x64xf32, #tpu.memory_space<vmem>> -> memref<128x64xf32, #tpu.memory_space<vmem>>
      tpu.enqueue_dma source(%dma_start3A_489 : memref<128x64xf32, #tpu.memory_space<vmem>>) target(%dma_start3A_485 : memref<128x64xf32, #tpu.memory_space<hbm>>) target_semaphore(%arg16 : memref<!tpu.dma_semaphore, #tpu.memory_space<semaphore_mem>>)
      %dma_wait3A_490 = arith.constant 2 : i32
      %dma_wait3A_491 = arith.constant 0 : i32
      %dma_wait3A_492 = arith.constant 0 : i32
      %dma_wait3A_493 = arith.constant 0 : i32
      %dma_wait3A_494 = tpu.memref_slice %arg6[%dma_wait3A_490, %dma_wait3A_492, %dma_wait3A_493] : memref<5x128x64xf32, #tpu.memory_space<vmem>> -> memref<1x128x64xf32, #tpu.memory_space<vmem>>
      %dma_wait3A_495 = tpu.memref_squeeze %dma_wait3A_494 : memref<1x128x64xf32, #tpu.memory_space<vmem>> -> memref<128x64xf32, #tpu.memory_space<vmem>>
      %dma_wait3A_496 = arith.constant 0 : i32
      %dma_wait3A_497 = arith.constant 0 : i32
      %dma_wait3A_498 = tpu.memref_slice %arg4[%dma_wait3A_491, %dma_wait3A_496, %dma_wait3A_497] : memref<200x4096x64xf32, #tpu.memory_space<hbm>> -> memref<1x128x64xf32, #tpu.memory_space<hbm>>
      %dma_wait3A_499 = tpu.memref_squeeze %dma_wait3A_498 : memref<1x128x64xf32, #tpu.memory_space<hbm>> -> memref<128x64xf32, #tpu.memory_space<hbm>>
      %dma_wait3A_500 = arith.constant 0 : i32
      %dma_wait3A_501 = arith.constant 0 : i32
      %dma_wait3A_502 = tpu.memref_slice %arg4[%dma_wait3A_491, %dma_wait3A_500, %dma_wait3A_501] : memref<200x4096x64xf32, #tpu.memory_space<hbm>> -> memref<1x128x64xf32, #tpu.memory_space<hbm>>
      %dma_wait3A_503 = tpu.memref_squeeze %dma_wait3A_502 : memref<1x128x64xf32, #tpu.memory_space<hbm>> -> memref<128x64xf32, #tpu.memory_space<hbm>>
      %dma_wait3A_504 = arith.constant 0 : i32
      %dma_wait3A_505 = arith.constant 0 : i32
      %dma_wait3A_506 = tpu.memref_slice %arg6[%dma_wait3A_490, %dma_wait3A_504, %dma_wait3A_505] : memref<5x128x64xf32, #tpu.memory_space<vmem>> -> memref<1x128x64xf32, #tpu.memory_space<vmem>>
      %dma_wait3A_507 = tpu.memref_squeeze %dma_wait3A_506 : memref<1x128x64xf32, #tpu.memory_space<vmem>> -> memref<128x64xf32, #tpu.memory_space<vmem>>
      tpu.wait_dma2 semaphore(%arg14 : memref<!tpu.dma_semaphore, #tpu.memory_space<semaphore_mem>>) src(%dma_wait3A_507 : memref<128x64xf32, #tpu.memory_space<vmem>>) dst(%dma_wait3A_503 : memref<128x64xf32, #tpu.memory_space<hbm>>)
      %add3A_508 = arith.constant 3 : i32
      %add3A_509 = arith.addi %add3A_457, %add3A_508 : i32
      %dma_start3A_510 = arith.constant 2 : i32
      %dma_start3A_511 = arith.constant 0 : i32
      %dma_start3A_512 = arith.constant 0 : i32
      %dma_start3A_513 = tpu.memref_slice %arg6[%dma_start3A_510, %dma_start3A_511, %dma_start3A_512] : memref<5x128x64xf32, #tpu.memory_space<vmem>> -> memref<1x128x64xf32, #tpu.memory_space<vmem>>
      %dma_start3A_514 = tpu.memref_squeeze %dma_start3A_513 : memref<1x128x64xf32, #tpu.memory_space<vmem>> -> memref<128x64xf32, #tpu.memory_space<vmem>>
      %dma_start3A_515 = arith.constant 0 : i32
      %dma_start3A_516 = tpu.memref_slice %arg5[%add3A_509, %dma_start3A_515] : memref<200x128xi32, #tpu.memory_space<vmem>> -> memref<1x128xi32, #tpu.memory_space<vmem>>
      %dma_start3A_517 = tpu.memref_squeeze %dma_start3A_516 : memref<1x128xi32, #tpu.memory_space<vmem>> -> memref<128xi32, #tpu.memory_space<vmem>>
      %dma_start3A_518 = arith.constant 0 : i32
      %dma_start3A_519 = arith.constant 0 : i32
      %dma_start3A_520 = tpu.memref_slice %arg2[%dma_start3A_518, %dma_start3A_519] : memref<1000000x64xf32, #tpu.memory_space<hbm>> -> memref<1000000x64xf32, #tpu.memory_space<hbm>>
      tpu.enqueue_indirect_dma source(%dma_start3A_520 : memref<1000000x64xf32, #tpu.memory_space<hbm>>) target(%dma_start3A_514 : memref<128x64xf32, #tpu.memory_space<vmem>>) offsets(%dma_start3A_517 : memref<128xi32, #tpu.memory_space<vmem>>) semaphore(%arg9 : memref<!tpu.dma_semaphore, #tpu.memory_space<semaphore_mem>>)
      %add3A_521 = arith.constant 3 : i32
      %add3A_522 = arith.addi %add3A_325, %add3A_521 : i32
      %dma_wait3A_523 = arith.constant 0 : i32
      %dma_wait3A_524 = arith.constant 0 : i32
      %dma_wait3A_525 = arith.constant 0 : i32
      %dma_wait3A_526 = tpu.memref_slice %arg6[%dma_wait3A_523, %dma_wait3A_524, %dma_wait3A_525] : memref<5x128x64xf32, #tpu.memory_space<vmem>> -> memref<1x128x64xf32, #tpu.memory_space<vmem>>
      %dma_wait3A_527 = tpu.memref_squeeze %dma_wait3A_526 : memref<1x128x64xf32, #tpu.memory_space<vmem>> -> memref<128x64xf32, #tpu.memory_space<vmem>>
      %dma_wait3A_528 = arith.constant 0 : i32
      %dma_wait3A_529 = arith.constant 0 : i32
      %dma_wait3A_530 = tpu.memref_slice %arg2[%dma_wait3A_528, %dma_wait3A_529] : memref<1000000x64xf32, #tpu.memory_space<hbm>> -> memref<128x64xf32, #tpu.memory_space<hbm>>
      %dma_wait3A_531 = arith.constant 0 : i32
      %dma_wait3A_532 = arith.constant 0 : i32
      %dma_wait3A_533 = tpu.memref_slice %arg6[%dma_wait3A_523, %dma_wait3A_531, %dma_wait3A_532] : memref<5x128x64xf32, #tpu.memory_space<vmem>> -> memref<1x128x64xf32, #tpu.memory_space<vmem>>
      %dma_wait3A_534 = tpu.memref_squeeze %dma_wait3A_533 : memref<1x128x64xf32, #tpu.memory_space<vmem>> -> memref<128x64xf32, #tpu.memory_space<vmem>>
      %dma_wait3A_535 = arith.constant 0 : i32
      %dma_wait3A_536 = arith.constant 0 : i32
      %dma_wait3A_537 = tpu.memref_slice %arg2[%dma_wait3A_535, %dma_wait3A_536] : memref<1000000x64xf32, #tpu.memory_space<hbm>> -> memref<128x64xf32, #tpu.memory_space<hbm>>
      tpu.wait_dma2 semaphore(%arg7 : memref<!tpu.dma_semaphore, #tpu.memory_space<semaphore_mem>>) src(%dma_wait3A_537 : memref<128x64xf32, #tpu.memory_space<hbm>>) dst(%dma_wait3A_534 : memref<128x64xf32, #tpu.memory_space<vmem>>)
      %mul3A_538 = arith.constant 128 : i32
      %mul3A_539 = arith.muli %add3A, %mul3A_538 : i32
      %dma_start3A_540 = arith.constant 0 : i32
      %dma_start3A_541 = arith.constant 0 : i32
      %dma_start3A_542 = arith.constant 0 : i32
      %dma_start3A_543 = tpu.memref_slice %arg6[%dma_start3A_540, %dma_start3A_541, %dma_start3A_542] : memref<5x128x64xf32, #tpu.memory_space<vmem>> -> memref<1x128x64xf32, #tpu.memory_space<vmem>>
      %dma_start3A_544 = tpu.memref_squeeze %dma_start3A_543 : memref<1x128x64xf32, #tpu.memory_space<vmem>> -> memref<128x64xf32, #tpu.memory_space<vmem>>
      %dma_start3A_545 = arith.constant 0 : i32
      %dma_start3A_546 = tpu.memref_slice %arg4[%add3A_522, %mul3A_539, %dma_start3A_545] : memref<200x4096x64xf32, #tpu.memory_space<hbm>> -> memref<1x128x64xf32, #tpu.memory_space<hbm>>
      %dma_start3A_547 = tpu.memref_squeeze %dma_start3A_546 : memref<1x128x64xf32, #tpu.memory_space<hbm>> -> memref<128x64xf32, #tpu.memory_space<hbm>>
      %dma_start3A_548 = arith.constant 0 : i32
      %dma_start3A_549 = tpu.memref_slice %arg4[%add3A_522, %mul3A_539, %dma_start3A_548] : memref<200x4096x64xf32, #tpu.memory_space<hbm>> -> memref<1x128x64xf32, #tpu.memory_space<hbm>>
      %dma_start3A_550 = tpu.memref_squeeze %dma_start3A_549 : memref<1x128x64xf32, #tpu.memory_space<hbm>> -> memref<128x64xf32, #tpu.memory_space<hbm>>
      %dma_start3A_551 = arith.constant 0 : i32
      %dma_start3A_552 = arith.constant 0 : i32
      %dma_start3A_553 = tpu.memref_slice %arg6[%dma_start3A_540, %dma_start3A_551, %dma_start3A_552] : memref<5x128x64xf32, #tpu.memory_space<vmem>> -> memref<1x128x64xf32, #tpu.memory_space<vmem>>
      %dma_start3A_554 = tpu.memref_squeeze %dma_start3A_553 : memref<1x128x64xf32, #tpu.memory_space<vmem>> -> memref<128x64xf32, #tpu.memory_space<vmem>>
      tpu.enqueue_dma source(%dma_start3A_554 : memref<128x64xf32, #tpu.memory_space<vmem>>) target(%dma_start3A_550 : memref<128x64xf32, #tpu.memory_space<hbm>>) target_semaphore(%arg12 : memref<!tpu.dma_semaphore, #tpu.memory_space<semaphore_mem>>)
      %dma_wait3A_555 = arith.constant 3 : i32
      %dma_wait3A_556 = arith.constant 0 : i32
      %dma_wait3A_557 = arith.constant 0 : i32
      %dma_wait3A_558 = arith.constant 0 : i32
      %dma_wait3A_559 = tpu.memref_slice %arg6[%dma_wait3A_555, %dma_wait3A_557, %dma_wait3A_558] : memref<5x128x64xf32, #tpu.memory_space<vmem>> -> memref<1x128x64xf32, #tpu.memory_space<vmem>>
      %dma_wait3A_560 = tpu.memref_squeeze %dma_wait3A_559 : memref<1x128x64xf32, #tpu.memory_space<vmem>> -> memref<128x64xf32, #tpu.memory_space<vmem>>
      %dma_wait3A_561 = arith.constant 0 : i32
      %dma_wait3A_562 = arith.constant 0 : i32
      %dma_wait3A_563 = tpu.memref_slice %arg4[%dma_wait3A_556, %dma_wait3A_561, %dma_wait3A_562] : memref<200x4096x64xf32, #tpu.memory_space<hbm>> -> memref<1x128x64xf32, #tpu.memory_space<hbm>>
      %dma_wait3A_564 = tpu.memref_squeeze %dma_wait3A_563 : memref<1x128x64xf32, #tpu.memory_space<hbm>> -> memref<128x64xf32, #tpu.memory_space<hbm>>
      %dma_wait3A_565 = arith.constant 0 : i32
      %dma_wait3A_566 = arith.constant 0 : i32
      %dma_wait3A_567 = tpu.memref_slice %arg4[%dma_wait3A_556, %dma_wait3A_565, %dma_wait3A_566] : memref<200x4096x64xf32, #tpu.memory_space<hbm>> -> memref<1x128x64xf32, #tpu.memory_space<hbm>>
      %dma_wait3A_568 = tpu.memref_squeeze %dma_wait3A_567 : memref<1x128x64xf32, #tpu.memory_space<hbm>> -> memref<128x64xf32, #tpu.memory_space<hbm>>
      %dma_wait3A_569 = arith.constant 0 : i32
      %dma_wait3A_570 = arith.constant 0 : i32
      %dma_wait3A_571 = tpu.memref_slice %arg6[%dma_wait3A_555, %dma_wait3A_569, %dma_wait3A_570] : memref<5x128x64xf32, #tpu.memory_space<vmem>> -> memref<1x128x64xf32, #tpu.memory_space<vmem>>
      %dma_wait3A_572 = tpu.memref_squeeze %dma_wait3A_571 : memref<1x128x64xf32, #tpu.memory_space<vmem>> -> memref<128x64xf32, #tpu.memory_space<vmem>>
      tpu.wait_dma2 semaphore(%arg15 : memref<!tpu.dma_semaphore, #tpu.memory_space<semaphore_mem>>) src(%dma_wait3A_572 : memref<128x64xf32, #tpu.memory_space<vmem>>) dst(%dma_wait3A_568 : memref<128x64xf32, #tpu.memory_space<hbm>>)
      %add3A_573 = arith.constant 3 : i32
      %add3A_574 = arith.addi %add3A_522, %add3A_573 : i32
      %dma_start3A_575 = arith.constant 3 : i32
      %dma_start3A_576 = arith.constant 0 : i32
      %dma_start3A_577 = arith.constant 0 : i32
      %dma_start3A_578 = tpu.memref_slice %arg6[%dma_start3A_575, %dma_start3A_576, %dma_start3A_577] : memref<5x128x64xf32, #tpu.memory_space<vmem>> -> memref<1x128x64xf32, #tpu.memory_space<vmem>>
      %dma_start3A_579 = tpu.memref_squeeze %dma_start3A_578 : memref<1x128x64xf32, #tpu.memory_space<vmem>> -> memref<128x64xf32, #tpu.memory_space<vmem>>
      %dma_start3A_580 = arith.constant 0 : i32
      %dma_start3A_581 = tpu.memref_slice %arg5[%add3A_574, %dma_start3A_580] : memref<200x128xi32, #tpu.memory_space<vmem>> -> memref<1x128xi32, #tpu.memory_space<vmem>>
      %dma_start3A_582 = tpu.memref_squeeze %dma_start3A_581 : memref<1x128xi32, #tpu.memory_space<vmem>> -> memref<128xi32, #tpu.memory_space<vmem>>
      %dma_start3A_583 = arith.constant 0 : i32
      %dma_start3A_584 = arith.constant 0 : i32
      %dma_start3A_585 = tpu.memref_slice %arg2[%dma_start3A_583, %dma_start3A_584] : memref<1000000x64xf32, #tpu.memory_space<hbm>> -> memref<1000000x64xf32, #tpu.memory_space<hbm>>
      tpu.enqueue_indirect_dma source(%dma_start3A_585 : memref<1000000x64xf32, #tpu.memory_space<hbm>>) target(%dma_start3A_579 : memref<128x64xf32, #tpu.memory_space<vmem>>) offsets(%dma_start3A_582 : memref<128xi32, #tpu.memory_space<vmem>>) semaphore(%arg10 : memref<!tpu.dma_semaphore, #tpu.memory_space<semaphore_mem>>)
      %add3A_586 = arith.constant 4 : i32
      %add3A_587 = arith.addi %add3A_325, %add3A_586 : i32
      %dma_wait3A_588 = arith.constant 1 : i32
      %dma_wait3A_589 = arith.constant 0 : i32
      %dma_wait3A_590 = arith.constant 0 : i32
      %dma_wait3A_591 = tpu.memref_slice %arg6[%dma_wait3A_588, %dma_wait3A_589, %dma_wait3A_590] : memref<5x128x64xf32, #tpu.memory_space<vmem>> -> memref<1x128x64xf32, #tpu.memory_space<vmem>>
      %dma_wait3A_592 = tpu.memref_squeeze %dma_wait3A_591 : memref<1x128x64xf32, #tpu.memory_space<vmem>> -> memref<128x64xf32, #tpu.memory_space<vmem>>
      %dma_wait3A_593 = arith.constant 0 : i32
      %dma_wait3A_594 = arith.constant 0 : i32
      %dma_wait3A_595 = tpu.memref_slice %arg2[%dma_wait3A_593, %dma_wait3A_594] : memref<1000000x64xf32, #tpu.memory_space<hbm>> -> memref<128x64xf32, #tpu.memory_space<hbm>>
      %dma_wait3A_596 = arith.constant 0 : i32
      %dma_wait3A_597 = arith.constant 0 : i32
      %dma_wait3A_598 = tpu.memref_slice %arg6[%dma_wait3A_588, %dma_wait3A_596, %dma_wait3A_597] : memref<5x128x64xf32, #tpu.memory_space<vmem>> -> memref<1x128x64xf32, #tpu.memory_space<vmem>>
      %dma_wait3A_599 = tpu.memref_squeeze %dma_wait3A_598 : memref<1x128x64xf32, #tpu.memory_space<vmem>> -> memref<128x64xf32, #tpu.memory_space<vmem>>
      %dma_wait3A_600 = arith.constant 0 : i32
      %dma_wait3A_601 = arith.constant 0 : i32
      %dma_wait3A_602 = tpu.memref_slice %arg2[%dma_wait3A_600, %dma_wait3A_601] : memref<1000000x64xf32, #tpu.memory_space<hbm>> -> memref<128x64xf32, #tpu.memory_space<hbm>>
      tpu.wait_dma2 semaphore(%arg8 : memref<!tpu.dma_semaphore, #tpu.memory_space<semaphore_mem>>) src(%dma_wait3A_602 : memref<128x64xf32, #tpu.memory_space<hbm>>) dst(%dma_wait3A_599 : memref<128x64xf32, #tpu.memory_space<vmem>>)
      %mul3A_603 = arith.constant 128 : i32
      %mul3A_604 = arith.muli %add3A, %mul3A_603 : i32
      %dma_start3A_605 = arith.constant 1 : i32
      %dma_start3A_606 = arith.constant 0 : i32
      %dma_start3A_607 = arith.constant 0 : i32
      %dma_start3A_608 = tpu.memref_slice %arg6[%dma_start3A_605, %dma_start3A_606, %dma_start3A_607] : memref<5x128x64xf32, #tpu.memory_space<vmem>> -> memref<1x128x64xf32, #tpu.memory_space<vmem>>
      %dma_start3A_609 = tpu.memref_squeeze %dma_start3A_608 : memref<1x128x64xf32, #tpu.memory_space<vmem>> -> memref<128x64xf32, #tpu.memory_space<vmem>>
      %dma_start3A_610 = arith.constant 0 : i32
      %dma_start3A_611 = tpu.memref_slice %arg4[%add3A_587, %mul3A_604, %dma_start3A_610] : memref<200x4096x64xf32, #tpu.memory_space<hbm>> -> memref<1x128x64xf32, #tpu.memory_space<hbm>>
      %dma_start3A_612 = tpu.memref_squeeze %dma_start3A_611 : memref<1x128x64xf32, #tpu.memory_space<hbm>> -> memref<128x64xf32, #tpu.memory_space<hbm>>
      %dma_start3A_613 = arith.constant 0 : i32
      %dma_start3A_614 = tpu.memref_slice %arg4[%add3A_587, %mul3A_604, %dma_start3A_613] : memref<200x4096x64xf32, #tpu.memory_space<hbm>> -> memref<1x128x64xf32, #tpu.memory_space<hbm>>
      %dma_start3A_615 = tpu.memref_squeeze %dma_start3A_614 : memref<1x128x64xf32, #tpu.memory_space<hbm>> -> memref<128x64xf32, #tpu.memory_space<hbm>>
      %dma_start3A_616 = arith.constant 0 : i32
      %dma_start3A_617 = arith.constant 0 : i32
      %dma_start3A_618 = tpu.memref_slice %arg6[%dma_start3A_605, %dma_start3A_616, %dma_start3A_617] : memref<5x128x64xf32, #tpu.memory_space<vmem>> -> memref<1x128x64xf32, #tpu.memory_space<vmem>>
      %dma_start3A_619 = tpu.memref_squeeze %dma_start3A_618 : memref<1x128x64xf32, #tpu.memory_space<vmem>> -> memref<128x64xf32, #tpu.memory_space<vmem>>
      tpu.enqueue_dma source(%dma_start3A_619 : memref<128x64xf32, #tpu.memory_space<vmem>>) target(%dma_start3A_615 : memref<128x64xf32, #tpu.memory_space<hbm>>) target_semaphore(%arg13 : memref<!tpu.dma_semaphore, #tpu.memory_space<semaphore_mem>>)
      %dma_wait3A_620 = arith.constant 4 : i32
      %dma_wait3A_621 = arith.constant 0 : i32
      %dma_wait3A_622 = arith.constant 0 : i32
      %dma_wait3A_623 = arith.constant 0 : i32
      %dma_wait3A_624 = tpu.memref_slice %arg6[%dma_wait3A_620, %dma_wait3A_622, %dma_wait3A_623] : memref<5x128x64xf32, #tpu.memory_space<vmem>> -> memref<1x128x64xf32, #tpu.memory_space<vmem>>
      %dma_wait3A_625 = tpu.memref_squeeze %dma_wait3A_624 : memref<1x128x64xf32, #tpu.memory_space<vmem>> -> memref<128x64xf32, #tpu.memory_space<vmem>>
      %dma_wait3A_626 = arith.constant 0 : i32
      %dma_wait3A_627 = arith.constant 0 : i32
      %dma_wait3A_628 = tpu.memref_slice %arg4[%dma_wait3A_621, %dma_wait3A_626, %dma_wait3A_627] : memref<200x4096x64xf32, #tpu.memory_space<hbm>> -> memref<1x128x64xf32, #tpu.memory_space<hbm>>
      %dma_wait3A_629 = tpu.memref_squeeze %dma_wait3A_628 : memref<1x128x64xf32, #tpu.memory_space<hbm>> -> memref<128x64xf32, #tpu.memory_space<hbm>>
      %dma_wait3A_630 = arith.constant 0 : i32
      %dma_wait3A_631 = arith.constant 0 : i32
      %dma_wait3A_632 = tpu.memref_slice %arg4[%dma_wait3A_621, %dma_wait3A_630, %dma_wait3A_631] : memref<200x4096x64xf32, #tpu.memory_space<hbm>> -> memref<1x128x64xf32, #tpu.memory_space<hbm>>
      %dma_wait3A_633 = tpu.memref_squeeze %dma_wait3A_632 : memref<1x128x64xf32, #tpu.memory_space<hbm>> -> memref<128x64xf32, #tpu.memory_space<hbm>>
      %dma_wait3A_634 = arith.constant 0 : i32
      %dma_wait3A_635 = arith.constant 0 : i32
      %dma_wait3A_636 = tpu.memref_slice %arg6[%dma_wait3A_620, %dma_wait3A_634, %dma_wait3A_635] : memref<5x128x64xf32, #tpu.memory_space<vmem>> -> memref<1x128x64xf32, #tpu.memory_space<vmem>>
      %dma_wait3A_637 = tpu.memref_squeeze %dma_wait3A_636 : memref<1x128x64xf32, #tpu.memory_space<vmem>> -> memref<128x64xf32, #tpu.memory_space<vmem>>
      tpu.wait_dma2 semaphore(%arg16 : memref<!tpu.dma_semaphore, #tpu.memory_space<semaphore_mem>>) src(%dma_wait3A_637 : memref<128x64xf32, #tpu.memory_space<vmem>>) dst(%dma_wait3A_633 : memref<128x64xf32, #tpu.memory_space<hbm>>)
      %add3A_638 = arith.constant 3 : i32
      %add3A_639 = arith.addi %add3A_587, %add3A_638 : i32
      %dma_start3A_640 = arith.constant 4 : i32
      %dma_start3A_641 = arith.constant 0 : i32
      %dma_start3A_642 = arith.constant 0 : i32
      %dma_start3A_643 = tpu.memref_slice %arg6[%dma_start3A_640, %dma_start3A_641, %dma_start3A_642] : memref<5x128x64xf32, #tpu.memory_space<vmem>> -> memref<1x128x64xf32, #tpu.memory_space<vmem>>
      %dma_start3A_644 = tpu.memref_squeeze %dma_start3A_643 : memref<1x128x64xf32, #tpu.memory_space<vmem>> -> memref<128x64xf32, #tpu.memory_space<vmem>>
      %dma_start3A_645 = arith.constant 0 : i32
      %dma_start3A_646 = tpu.memref_slice %arg5[%add3A_639, %dma_start3A_645] : memref<200x128xi32, #tpu.memory_space<vmem>> -> memref<1x128xi32, #tpu.memory_space<vmem>>
      %dma_start3A_647 = tpu.memref_squeeze %dma_start3A_646 : memref<1x128xi32, #tpu.memory_space<vmem>> -> memref<128xi32, #tpu.memory_space<vmem>>
      %dma_start3A_648 = arith.constant 0 : i32
      %dma_start3A_649 = arith.constant 0 : i32
      %dma_start3A_650 = tpu.memref_slice %arg2[%dma_start3A_648, %dma_start3A_649] : memref<1000000x64xf32, #tpu.memory_space<hbm>> -> memref<1000000x64xf32, #tpu.memory_space<hbm>>
      tpu.enqueue_indirect_dma source(%dma_start3A_650 : memref<1000000x64xf32, #tpu.memory_space<hbm>>) target(%dma_start3A_644 : memref<128x64xf32, #tpu.memory_space<vmem>>) offsets(%dma_start3A_647 : memref<128xi32, #tpu.memory_space<vmem>>) semaphore(%arg11 : memref<!tpu.dma_semaphore, #tpu.memory_space<semaphore_mem>>)
    }
    %scan3A_131 = arith.constant 39 : i32
    %dma_wait3A_132 = arith.constant 2 : i32
    %dma_wait3A_133 = arith.constant 0 : i32
    %dma_wait3A_134 = arith.constant 0 : i32
    %dma_wait3A_135 = tpu.memref_slice %arg6[%dma_wait3A_132, %dma_wait3A_133, %dma_wait3A_134] : memref<5x128x64xf32, #tpu.memory_space<vmem>> -> memref<1x128x64xf32, #tpu.memory_space<vmem>>
    %dma_wait3A_136 = tpu.memref_squeeze %dma_wait3A_135 : memref<1x128x64xf32, #tpu.memory_space<vmem>> -> memref<128x64xf32, #tpu.memory_space<vmem>>
    %dma_wait3A_137 = arith.constant 0 : i32
    %dma_wait3A_138 = arith.constant 0 : i32
    %dma_wait3A_139 = tpu.memref_slice %arg2[%dma_wait3A_137, %dma_wait3A_138] : memref<1000000x64xf32, #tpu.memory_space<hbm>> -> memref<128x64xf32, #tpu.memory_space<hbm>>
    %dma_wait3A_140 = arith.constant 0 : i32
    %dma_wait3A_141 = arith.constant 0 : i32
    %dma_wait3A_142 = tpu.memref_slice %arg6[%dma_wait3A_132, %dma_wait3A_140, %dma_wait3A_141] : memref<5x128x64xf32, #tpu.memory_space<vmem>> -> memref<1x128x64xf32, #tpu.memory_space<vmem>>
    %dma_wait3A_143 = tpu.memref_squeeze %dma_wait3A_142 : memref<1x128x64xf32, #tpu.memory_space<vmem>> -> memref<128x64xf32, #tpu.memory_space<vmem>>
    %dma_wait3A_144 = arith.constant 0 : i32
    %dma_wait3A_145 = arith.constant 0 : i32
    %dma_wait3A_146 = tpu.memref_slice %arg2[%dma_wait3A_144, %dma_wait3A_145] : memref<1000000x64xf32, #tpu.memory_space<hbm>> -> memref<128x64xf32, #tpu.memory_space<hbm>>
    tpu.wait_dma2 semaphore(%arg9 : memref<!tpu.dma_semaphore, #tpu.memory_space<semaphore_mem>>) src(%dma_wait3A_146 : memref<128x64xf32, #tpu.memory_space<hbm>>) dst(%dma_wait3A_143 : memref<128x64xf32, #tpu.memory_space<vmem>>)
    %mul3A_147 = arith.constant 128 : i32
    %mul3A_148 = arith.muli %add3A, %mul3A_147 : i32
    %dma_start3A_149 = arith.constant 2 : i32
    %dma_start3A_150 = arith.constant 197 : i32
    %dma_start3A_151 = arith.constant 0 : i32
    %dma_start3A_152 = arith.constant 0 : i32
    %dma_start3A_153 = tpu.memref_slice %arg6[%dma_start3A_149, %dma_start3A_151, %dma_start3A_152] : memref<5x128x64xf32, #tpu.memory_space<vmem>> -> memref<1x128x64xf32, #tpu.memory_space<vmem>>
    %dma_start3A_154 = tpu.memref_squeeze %dma_start3A_153 : memref<1x128x64xf32, #tpu.memory_space<vmem>> -> memref<128x64xf32, #tpu.memory_space<vmem>>
    %dma_start3A_155 = arith.constant 0 : i32
    %dma_start3A_156 = tpu.memref_slice %arg4[%dma_start3A_150, %mul3A_148, %dma_start3A_155] : memref<200x4096x64xf32, #tpu.memory_space<hbm>> -> memref<1x128x64xf32, #tpu.memory_space<hbm>>
    %dma_start3A_157 = tpu.memref_squeeze %dma_start3A_156 : memref<1x128x64xf32, #tpu.memory_space<hbm>> -> memref<128x64xf32, #tpu.memory_space<hbm>>
    %dma_start3A_158 = arith.constant 0 : i32
    %dma_start3A_159 = tpu.memref_slice %arg4[%dma_start3A_150, %mul3A_148, %dma_start3A_158] : memref<200x4096x64xf32, #tpu.memory_space<hbm>> -> memref<1x128x64xf32, #tpu.memory_space<hbm>>
    %dma_start3A_160 = tpu.memref_squeeze %dma_start3A_159 : memref<1x128x64xf32, #tpu.memory_space<hbm>> -> memref<128x64xf32, #tpu.memory_space<hbm>>
    %dma_start3A_161 = arith.constant 0 : i32
    %dma_start3A_162 = arith.constant 0 : i32
    %dma_start3A_163 = tpu.memref_slice %arg6[%dma_start3A_149, %dma_start3A_161, %dma_start3A_162] : memref<5x128x64xf32, #tpu.memory_space<vmem>> -> memref<1x128x64xf32, #tpu.memory_space<vmem>>
    %dma_start3A_164 = tpu.memref_squeeze %dma_start3A_163 : memref<1x128x64xf32, #tpu.memory_space<vmem>> -> memref<128x64xf32, #tpu.memory_space<vmem>>
    tpu.enqueue_dma source(%dma_start3A_164 : memref<128x64xf32, #tpu.memory_space<vmem>>) target(%dma_start3A_160 : memref<128x64xf32, #tpu.memory_space<hbm>>) target_semaphore(%arg14 : memref<!tpu.dma_semaphore, #tpu.memory_space<semaphore_mem>>)
    %dma_wait3A_165 = arith.constant 3 : i32
    %dma_wait3A_166 = arith.constant 0 : i32
    %dma_wait3A_167 = arith.constant 0 : i32
    %dma_wait3A_168 = tpu.memref_slice %arg6[%dma_wait3A_165, %dma_wait3A_166, %dma_wait3A_167] : memref<5x128x64xf32, #tpu.memory_space<vmem>> -> memref<1x128x64xf32, #tpu.memory_space<vmem>>
    %dma_wait3A_169 = tpu.memref_squeeze %dma_wait3A_168 : memref<1x128x64xf32, #tpu.memory_space<vmem>> -> memref<128x64xf32, #tpu.memory_space<vmem>>
    %dma_wait3A_170 = arith.constant 0 : i32
    %dma_wait3A_171 = arith.constant 0 : i32
    %dma_wait3A_172 = tpu.memref_slice %arg2[%dma_wait3A_170, %dma_wait3A_171] : memref<1000000x64xf32, #tpu.memory_space<hbm>> -> memref<128x64xf32, #tpu.memory_space<hbm>>
    %dma_wait3A_173 = arith.constant 0 : i32
    %dma_wait3A_174 = arith.constant 0 : i32
    %dma_wait3A_175 = tpu.memref_slice %arg6[%dma_wait3A_165, %dma_wait3A_173, %dma_wait3A_174] : memref<5x128x64xf32, #tpu.memory_space<vmem>> -> memref<1x128x64xf32, #tpu.memory_space<vmem>>
    %dma_wait3A_176 = tpu.memref_squeeze %dma_wait3A_175 : memref<1x128x64xf32, #tpu.memory_space<vmem>> -> memref<128x64xf32, #tpu.memory_space<vmem>>
    %dma_wait3A_177 = arith.constant 0 : i32
    %dma_wait3A_178 = arith.constant 0 : i32
    %dma_wait3A_179 = tpu.memref_slice %arg2[%dma_wait3A_177, %dma_wait3A_178] : memref<1000000x64xf32, #tpu.memory_space<hbm>> -> memref<128x64xf32, #tpu.memory_space<hbm>>
    tpu.wait_dma2 semaphore(%arg10 : memref<!tpu.dma_semaphore, #tpu.memory_space<semaphore_mem>>) src(%dma_wait3A_179 : memref<128x64xf32, #tpu.memory_space<hbm>>) dst(%dma_wait3A_176 : memref<128x64xf32, #tpu.memory_space<vmem>>)
    %mul3A_180 = arith.constant 128 : i32
    %mul3A_181 = arith.muli %add3A, %mul3A_180 : i32
    %dma_start3A_182 = arith.constant 3 : i32
    %dma_start3A_183 = arith.constant 198 : i32
    %dma_start3A_184 = arith.constant 0 : i32
    %dma_start3A_185 = arith.constant 0 : i32
    %dma_start3A_186 = tpu.memref_slice %arg6[%dma_start3A_182, %dma_start3A_184, %dma_start3A_185] : memref<5x128x64xf32, #tpu.memory_space<vmem>> -> memref<1x128x64xf32, #tpu.memory_space<vmem>>
    %dma_start3A_187 = tpu.memref_squeeze %dma_start3A_186 : memref<1x128x64xf32, #tpu.memory_space<vmem>> -> memref<128x64xf32, #tpu.memory_space<vmem>>
    %dma_start3A_188 = arith.constant 0 : i32
    %dma_start3A_189 = tpu.memref_slice %arg4[%dma_start3A_183, %mul3A_181, %dma_start3A_188] : memref<200x4096x64xf32, #tpu.memory_space<hbm>> -> memref<1x128x64xf32, #tpu.memory_space<hbm>>
    %dma_start3A_190 = tpu.memref_squeeze %dma_start3A_189 : memref<1x128x64xf32, #tpu.memory_space<hbm>> -> memref<128x64xf32, #tpu.memory_space<hbm>>
    %dma_start3A_191 = arith.constant 0 : i32
    %dma_start3A_192 = tpu.memref_slice %arg4[%dma_start3A_183, %mul3A_181, %dma_start3A_191] : memref<200x4096x64xf32, #tpu.memory_space<hbm>> -> memref<1x128x64xf32, #tpu.memory_space<hbm>>
    %dma_start3A_193 = tpu.memref_squeeze %dma_start3A_192 : memref<1x128x64xf32, #tpu.memory_space<hbm>> -> memref<128x64xf32, #tpu.memory_space<hbm>>
    %dma_start3A_194 = arith.constant 0 : i32
    %dma_start3A_195 = arith.constant 0 : i32
    %dma_start3A_196 = tpu.memref_slice %arg6[%dma_start3A_182, %dma_start3A_194, %dma_start3A_195] : memref<5x128x64xf32, #tpu.memory_space<vmem>> -> memref<1x128x64xf32, #tpu.memory_space<vmem>>
    %dma_start3A_197 = tpu.memref_squeeze %dma_start3A_196 : memref<1x128x64xf32, #tpu.memory_space<vmem>> -> memref<128x64xf32, #tpu.memory_space<vmem>>
    tpu.enqueue_dma source(%dma_start3A_197 : memref<128x64xf32, #tpu.memory_space<vmem>>) target(%dma_start3A_193 : memref<128x64xf32, #tpu.memory_space<hbm>>) target_semaphore(%arg15 : memref<!tpu.dma_semaphore, #tpu.memory_space<semaphore_mem>>)
    %dma_wait3A_198 = arith.constant 4 : i32
    %dma_wait3A_199 = arith.constant 0 : i32
    %dma_wait3A_200 = arith.constant 0 : i32
    %dma_wait3A_201 = tpu.memref_slice %arg6[%dma_wait3A_198, %dma_wait3A_199, %dma_wait3A_200] : memref<5x128x64xf32, #tpu.memory_space<vmem>> -> memref<1x128x64xf32, #tpu.memory_space<vmem>>
    %dma_wait3A_202 = tpu.memref_squeeze %dma_wait3A_201 : memref<1x128x64xf32, #tpu.memory_space<vmem>> -> memref<128x64xf32, #tpu.memory_space<vmem>>
    %dma_wait3A_203 = arith.constant 0 : i32
    %dma_wait3A_204 = arith.constant 0 : i32
    %dma_wait3A_205 = tpu.memref_slice %arg2[%dma_wait3A_203, %dma_wait3A_204] : memref<1000000x64xf32, #tpu.memory_space<hbm>> -> memref<128x64xf32, #tpu.memory_space<hbm>>
    %dma_wait3A_206 = arith.constant 0 : i32
    %dma_wait3A_207 = arith.constant 0 : i32
    %dma_wait3A_208 = tpu.memref_slice %arg6[%dma_wait3A_198, %dma_wait3A_206, %dma_wait3A_207] : memref<5x128x64xf32, #tpu.memory_space<vmem>> -> memref<1x128x64xf32, #tpu.memory_space<vmem>>
    %dma_wait3A_209 = tpu.memref_squeeze %dma_wait3A_208 : memref<1x128x64xf32, #tpu.memory_space<vmem>> -> memref<128x64xf32, #tpu.memory_space<vmem>>
    %dma_wait3A_210 = arith.constant 0 : i32
    %dma_wait3A_211 = arith.constant 0 : i32
    %dma_wait3A_212 = tpu.memref_slice %arg2[%dma_wait3A_210, %dma_wait3A_211] : memref<1000000x64xf32, #tpu.memory_space<hbm>> -> memref<128x64xf32, #tpu.memory_space<hbm>>
    tpu.wait_dma2 semaphore(%arg11 : memref<!tpu.dma_semaphore, #tpu.memory_space<semaphore_mem>>) src(%dma_wait3A_212 : memref<128x64xf32, #tpu.memory_space<hbm>>) dst(%dma_wait3A_209 : memref<128x64xf32, #tpu.memory_space<vmem>>)
    %mul3A_213 = arith.constant 128 : i32
    %mul3A_214 = arith.muli %add3A, %mul3A_213 : i32
    %dma_start3A_215 = arith.constant 4 : i32
    %dma_start3A_216 = arith.constant 199 : i32
    %dma_start3A_217 = arith.constant 0 : i32
    %dma_start3A_218 = arith.constant 0 : i32
    %dma_start3A_219 = tpu.memref_slice %arg6[%dma_start3A_215, %dma_start3A_217, %dma_start3A_218] : memref<5x128x64xf32, #tpu.memory_space<vmem>> -> memref<1x128x64xf32, #tpu.memory_space<vmem>>
    %dma_start3A_220 = tpu.memref_squeeze %dma_start3A_219 : memref<1x128x64xf32, #tpu.memory_space<vmem>> -> memref<128x64xf32, #tpu.memory_space<vmem>>
    %dma_start3A_221 = arith.constant 0 : i32
    %dma_start3A_222 = tpu.memref_slice %arg4[%dma_start3A_216, %mul3A_214, %dma_start3A_221] : memref<200x4096x64xf32, #tpu.memory_space<hbm>> -> memref<1x128x64xf32, #tpu.memory_space<hbm>>
    %dma_start3A_223 = tpu.memref_squeeze %dma_start3A_222 : memref<1x128x64xf32, #tpu.memory_space<hbm>> -> memref<128x64xf32, #tpu.memory_space<hbm>>
    %dma_start3A_224 = arith.constant 0 : i32
    %dma_start3A_225 = tpu.memref_slice %arg4[%dma_start3A_216, %mul3A_214, %dma_start3A_224] : memref<200x4096x64xf32, #tpu.memory_space<hbm>> -> memref<1x128x64xf32, #tpu.memory_space<hbm>>
    %dma_start3A_226 = tpu.memref_squeeze %dma_start3A_225 : memref<1x128x64xf32, #tpu.memory_space<hbm>> -> memref<128x64xf32, #tpu.memory_space<hbm>>
    %dma_start3A_227 = arith.constant 0 : i32
    %dma_start3A_228 = arith.constant 0 : i32
    %dma_start3A_229 = tpu.memref_slice %arg6[%dma_start3A_215, %dma_start3A_227, %dma_start3A_228] : memref<5x128x64xf32, #tpu.memory_space<vmem>> -> memref<1x128x64xf32, #tpu.memory_space<vmem>>
    %dma_start3A_230 = tpu.memref_squeeze %dma_start3A_229 : memref<1x128x64xf32, #tpu.memory_space<vmem>> -> memref<128x64xf32, #tpu.memory_space<vmem>>
    tpu.enqueue_dma source(%dma_start3A_230 : memref<128x64xf32, #tpu.memory_space<vmem>>) target(%dma_start3A_226 : memref<128x64xf32, #tpu.memory_space<hbm>>) target_semaphore(%arg16 : memref<!tpu.dma_semaphore, #tpu.memory_space<semaphore_mem>>)
    %dma_wait3A_231 = arith.constant 0 : i32
    %dma_wait3A_232 = arith.constant 0 : i32
    %dma_wait3A_233 = arith.constant 0 : i32
    %dma_wait3A_234 = arith.constant 0 : i32
    %dma_wait3A_235 = tpu.memref_slice %arg6[%dma_wait3A_231, %dma_wait3A_233, %dma_wait3A_234] : memref<5x128x64xf32, #tpu.memory_space<vmem>> -> memref<1x128x64xf32, #tpu.memory_space<vmem>>
    %dma_wait3A_236 = tpu.memref_squeeze %dma_wait3A_235 : memref<1x128x64xf32, #tpu.memory_space<vmem>> -> memref<128x64xf32, #tpu.memory_space<vmem>>
    %dma_wait3A_237 = arith.constant 0 : i32
    %dma_wait3A_238 = arith.constant 0 : i32
    %dma_wait3A_239 = tpu.memref_slice %arg4[%dma_wait3A_232, %dma_wait3A_237, %dma_wait3A_238] : memref<200x4096x64xf32, #tpu.memory_space<hbm>> -> memref<1x128x64xf32, #tpu.memory_space<hbm>>
    %dma_wait3A_240 = tpu.memref_squeeze %dma_wait3A_239 : memref<1x128x64xf32, #tpu.memory_space<hbm>> -> memref<128x64xf32, #tpu.memory_space<hbm>>
    %dma_wait3A_241 = arith.constant 0 : i32
    %dma_wait3A_242 = arith.constant 0 : i32
    %dma_wait3A_243 = tpu.memref_slice %arg4[%dma_wait3A_232, %dma_wait3A_241, %dma_wait3A_242] : memref<200x4096x64xf32, #tpu.memory_space<hbm>> -> memref<1x128x64xf32, #tpu.memory_space<hbm>>
    %dma_wait3A_244 = tpu.memref_squeeze %dma_wait3A_243 : memref<1x128x64xf32, #tpu.memory_space<hbm>> -> memref<128x64xf32, #tpu.memory_space<hbm>>
    %dma_wait3A_245 = arith.constant 0 : i32
    %dma_wait3A_246 = arith.constant 0 : i32
    %dma_wait3A_247 = tpu.memref_slice %arg6[%dma_wait3A_231, %dma_wait3A_245, %dma_wait3A_246] : memref<5x128x64xf32, #tpu.memory_space<vmem>> -> memref<1x128x64xf32, #tpu.memory_space<vmem>>
    %dma_wait3A_248 = tpu.memref_squeeze %dma_wait3A_247 : memref<1x128x64xf32, #tpu.memory_space<vmem>> -> memref<128x64xf32, #tpu.memory_space<vmem>>
    tpu.wait_dma2 semaphore(%arg12 : memref<!tpu.dma_semaphore, #tpu.memory_space<semaphore_mem>>) src(%dma_wait3A_248 : memref<128x64xf32, #tpu.memory_space<vmem>>) dst(%dma_wait3A_244 : memref<128x64xf32, #tpu.memory_space<hbm>>)
    %dma_wait3A_249 = arith.constant 1 : i32
    %dma_wait3A_250 = arith.constant 0 : i32
    %dma_wait3A_251 = arith.constant 0 : i32
    %dma_wait3A_252 = arith.constant 0 : i32
    %dma_wait3A_253 = tpu.memref_slice %arg6[%dma_wait3A_249, %dma_wait3A_251, %dma_wait3A_252] : memref<5x128x64xf32, #tpu.memory_space<vmem>> -> memref<1x128x64xf32, #tpu.memory_space<vmem>>
    %dma_wait3A_254 = tpu.memref_squeeze %dma_wait3A_253 : memref<1x128x64xf32, #tpu.memory_space<vmem>> -> memref<128x64xf32, #tpu.memory_space<vmem>>
    %dma_wait3A_255 = arith.constant 0 : i32
    %dma_wait3A_256 = arith.constant 0 : i32
    %dma_wait3A_257 = tpu.memref_slice %arg4[%dma_wait3A_250, %dma_wait3A_255, %dma_wait3A_256] : memref<200x4096x64xf32, #tpu.memory_space<hbm>> -> memref<1x128x64xf32, #tpu.memory_space<hbm>>
    %dma_wait3A_258 = tpu.memref_squeeze %dma_wait3A_257 : memref<1x128x64xf32, #tpu.memory_space<hbm>> -> memref<128x64xf32, #tpu.memory_space<hbm>>
    %dma_wait3A_259 = arith.constant 0 : i32
    %dma_wait3A_260 = arith.constant 0 : i32
    %dma_wait3A_261 = tpu.memref_slice %arg4[%dma_wait3A_250, %dma_wait3A_259, %dma_wait3A_260] : memref<200x4096x64xf32, #tpu.memory_space<hbm>> -> memref<1x128x64xf32, #tpu.memory_space<hbm>>
    %dma_wait3A_262 = tpu.memref_squeeze %dma_wait3A_261 : memref<1x128x64xf32, #tpu.memory_space<hbm>> -> memref<128x64xf32, #tpu.memory_space<hbm>>
    %dma_wait3A_263 = arith.constant 0 : i32
    %dma_wait3A_264 = arith.constant 0 : i32
    %dma_wait3A_265 = tpu.memref_slice %arg6[%dma_wait3A_249, %dma_wait3A_263, %dma_wait3A_264] : memref<5x128x64xf32, #tpu.memory_space<vmem>> -> memref<1x128x64xf32, #tpu.memory_space<vmem>>
    %dma_wait3A_266 = tpu.memref_squeeze %dma_wait3A_265 : memref<1x128x64xf32, #tpu.memory_space<vmem>> -> memref<128x64xf32, #tpu.memory_space<vmem>>
    tpu.wait_dma2 semaphore(%arg13 : memref<!tpu.dma_semaphore, #tpu.memory_space<semaphore_mem>>) src(%dma_wait3A_266 : memref<128x64xf32, #tpu.memory_space<vmem>>) dst(%dma_wait3A_262 : memref<128x64xf32, #tpu.memory_space<hbm>>)
    %dma_wait3A_267 = arith.constant 2 : i32
    %dma_wait3A_268 = arith.constant 0 : i32
    %dma_wait3A_269 = arith.constant 0 : i32
    %dma_wait3A_270 = arith.constant 0 : i32
    %dma_wait3A_271 = tpu.memref_slice %arg6[%dma_wait3A_267, %dma_wait3A_269, %dma_wait3A_270] : memref<5x128x64xf32, #tpu.memory_space<vmem>> -> memref<1x128x64xf32, #tpu.memory_space<vmem>>
    %dma_wait3A_272 = tpu.memref_squeeze %dma_wait3A_271 : memref<1x128x64xf32, #tpu.memory_space<vmem>> -> memref<128x64xf32, #tpu.memory_space<vmem>>
    %dma_wait3A_273 = arith.constant 0 : i32
    %dma_wait3A_274 = arith.constant 0 : i32
    %dma_wait3A_275 = tpu.memref_slice %arg4[%dma_wait3A_268, %dma_wait3A_273, %dma_wait3A_274] : memref<200x4096x64xf32, #tpu.memory_space<hbm>> -> memref<1x128x64xf32, #tpu.memory_space<hbm>>
    %dma_wait3A_276 = tpu.memref_squeeze %dma_wait3A_275 : memref<1x128x64xf32, #tpu.memory_space<hbm>> -> memref<128x64xf32, #tpu.memory_space<hbm>>
    %dma_wait3A_277 = arith.constant 0 : i32
    %dma_wait3A_278 = arith.constant 0 : i32
    %dma_wait3A_279 = tpu.memref_slice %arg4[%dma_wait3A_268, %dma_wait3A_277, %dma_wait3A_278] : memref<200x4096x64xf32, #tpu.memory_space<hbm>> -> memref<1x128x64xf32, #tpu.memory_space<hbm>>
    %dma_wait3A_280 = tpu.memref_squeeze %dma_wait3A_279 : memref<1x128x64xf32, #tpu.memory_space<hbm>> -> memref<128x64xf32, #tpu.memory_space<hbm>>
    %dma_wait3A_281 = arith.constant 0 : i32
    %dma_wait3A_282 = arith.constant 0 : i32
    %dma_wait3A_283 = tpu.memref_slice %arg6[%dma_wait3A_267, %dma_wait3A_281, %dma_wait3A_282] : memref<5x128x64xf32, #tpu.memory_space<vmem>> -> memref<1x128x64xf32, #tpu.memory_space<vmem>>
    %dma_wait3A_284 = tpu.memref_squeeze %dma_wait3A_283 : memref<1x128x64xf32, #tpu.memory_space<vmem>> -> memref<128x64xf32, #tpu.memory_space<vmem>>
    tpu.wait_dma2 semaphore(%arg14 : memref<!tpu.dma_semaphore, #tpu.memory_space<semaphore_mem>>) src(%dma_wait3A_284 : memref<128x64xf32, #tpu.memory_space<vmem>>) dst(%dma_wait3A_280 : memref<128x64xf32, #tpu.memory_space<hbm>>)
    %dma_wait3A_285 = arith.constant 3 : i32
    %dma_wait3A_286 = arith.constant 0 : i32
    %dma_wait3A_287 = arith.constant 0 : i32
    %dma_wait3A_288 = arith.constant 0 : i32
    %dma_wait3A_289 = tpu.memref_slice %arg6[%dma_wait3A_285, %dma_wait3A_287, %dma_wait3A_288] : memref<5x128x64xf32, #tpu.memory_space<vmem>> -> memref<1x128x64xf32, #tpu.memory_space<vmem>>
    %dma_wait3A_290 = tpu.memref_squeeze %dma_wait3A_289 : memref<1x128x64xf32, #tpu.memory_space<vmem>> -> memref<128x64xf32, #tpu.memory_space<vmem>>
    %dma_wait3A_291 = arith.constant 0 : i32
    %dma_wait3A_292 = arith.constant 0 : i32
    %dma_wait3A_293 = tpu.memref_slice %arg4[%dma_wait3A_286, %dma_wait3A_291, %dma_wait3A_292] : memref<200x4096x64xf32, #tpu.memory_space<hbm>> -> memref<1x128x64xf32, #tpu.memory_space<hbm>>
    %dma_wait3A_294 = tpu.memref_squeeze %dma_wait3A_293 : memref<1x128x64xf32, #tpu.memory_space<hbm>> -> memref<128x64xf32, #tpu.memory_space<hbm>>
    %dma_wait3A_295 = arith.constant 0 : i32
    %dma_wait3A_296 = arith.constant 0 : i32
    %dma_wait3A_297 = tpu.memref_slice %arg4[%dma_wait3A_286, %dma_wait3A_295, %dma_wait3A_296] : memref<200x4096x64xf32, #tpu.memory_space<hbm>> -> memref<1x128x64xf32, #tpu.memory_space<hbm>>
    %dma_wait3A_298 = tpu.memref_squeeze %dma_wait3A_297 : memref<1x128x64xf32, #tpu.memory_space<hbm>> -> memref<128x64xf32, #tpu.memory_space<hbm>>
    %dma_wait3A_299 = arith.constant 0 : i32
    %dma_wait3A_300 = arith.constant 0 : i32
    %dma_wait3A_301 = tpu.memref_slice %arg6[%dma_wait3A_285, %dma_wait3A_299, %dma_wait3A_300] : memref<5x128x64xf32, #tpu.memory_space<vmem>> -> memref<1x128x64xf32, #tpu.memory_space<vmem>>
    %dma_wait3A_302 = tpu.memref_squeeze %dma_wait3A_301 : memref<1x128x64xf32, #tpu.memory_space<vmem>> -> memref<128x64xf32, #tpu.memory_space<vmem>>
    tpu.wait_dma2 semaphore(%arg15 : memref<!tpu.dma_semaphore, #tpu.memory_space<semaphore_mem>>) src(%dma_wait3A_302 : memref<128x64xf32, #tpu.memory_space<vmem>>) dst(%dma_wait3A_298 : memref<128x64xf32, #tpu.memory_space<hbm>>)
    %dma_wait3A_303 = arith.constant 4 : i32
    %dma_wait3A_304 = arith.constant 0 : i32
    %dma_wait3A_305 = arith.constant 0 : i32
    %dma_wait3A_306 = arith.constant 0 : i32
    %dma_wait3A_307 = tpu.memref_slice %arg6[%dma_wait3A_303, %dma_wait3A_305, %dma_wait3A_306] : memref<5x128x64xf32, #tpu.memory_space<vmem>> -> memref<1x128x64xf32, #tpu.memory_space<vmem>>
    %dma_wait3A_308 = tpu.memref_squeeze %dma_wait3A_307 : memref<1x128x64xf32, #tpu.memory_space<vmem>> -> memref<128x64xf32, #tpu.memory_space<vmem>>
    %dma_wait3A_309 = arith.constant 0 : i32
    %dma_wait3A_310 = arith.constant 0 : i32
    %dma_wait3A_311 = tpu.memref_slice %arg4[%dma_wait3A_304, %dma_wait3A_309, %dma_wait3A_310] : memref<200x4096x64xf32, #tpu.memory_space<hbm>> -> memref<1x128x64xf32, #tpu.memory_space<hbm>>
    %dma_wait3A_312 = tpu.memref_squeeze %dma_wait3A_311 : memref<1x128x64xf32, #tpu.memory_space<hbm>> -> memref<128x64xf32, #tpu.memory_space<hbm>>
    %dma_wait3A_313 = arith.constant 0 : i32
    %dma_wait3A_314 = arith.constant 0 : i32
    %dma_wait3A_315 = tpu.memref_slice %arg4[%dma_wait3A_304, %dma_wait3A_313, %dma_wait3A_314] : memref<200x4096x64xf32, #tpu.memory_space<hbm>> -> memref<1x128x64xf32, #tpu.memory_space<hbm>>
    %dma_wait3A_316 = tpu.memref_squeeze %dma_wait3A_315 : memref<1x128x64xf32, #tpu.memory_space<hbm>> -> memref<128x64xf32, #tpu.memory_space<hbm>>
    %dma_wait3A_317 = arith.constant 0 : i32
    %dma_wait3A_318 = arith.constant 0 : i32
    %dma_wait3A_319 = tpu.memref_slice %arg6[%dma_wait3A_303, %dma_wait3A_317, %dma_wait3A_318] : memref<5x128x64xf32, #tpu.memory_space<vmem>> -> memref<1x128x64xf32, #tpu.memory_space<vmem>>
    %dma_wait3A_320 = tpu.memref_squeeze %dma_wait3A_319 : memref<1x128x64xf32, #tpu.memory_space<vmem>> -> memref<128x64xf32, #tpu.memory_space<vmem>>
    tpu.wait_dma2 semaphore(%arg16 : memref<!tpu.dma_semaphore, #tpu.memory_space<semaphore_mem>>) src(%dma_wait3A_320 : memref<128x64xf32, #tpu.memory_space<vmem>>) dst(%dma_wait3A_316 : memref<128x64xf32, #tpu.memory_space<hbm>>)
    return
  }
}

</mosaic_0001>

<sc_bundles>
// kernel: kernel.3.cloned.1.call-start
scs
__scs_entry_jumppad:
0x0: {  	(pc) =	sbr.rel $0x88, $3  }
0x1: {  	(tag) =	ssettag $0x0;
	lr =	simm.s32 $0x1  }
0x2: {  	[smem:$0x3F9F] =	sst lr;
	_ =	strace $0xD0000000  }
0x3: {  	_ = 	snop  }
0x4: {  	_ = 	snop  }
0x5: {  	_ = 	snop  }
0x6: {  	_ = 	snop  }
0x7: {  	_ = 	snop  }
__scs_overlays_trampoline_lowered:
0x8: {  	[smem:$0x3FAE] =	sst s0  }
0x9: {  	[smem:$0x3FAF] =	sst s1  }
0xa: {  	[smem:$0x3FB0] =	sst s2  }
0xb: {  	[smem:$0x3FB1] =	sst s3  }
0xc: {  	[smem:$0x3FB2] =	sst s4  }
0xd: {  	[smem:$0x3FB3] =	sst s5  }
0xe: {  	[smem:$0x3FB4] =	sst s6  }
0xf: {  	[smem:$0x3FB5] =	sst s7  }
0x10: {  	[smem:$0x3FB6] =	sst s8  }
0x11: {  	[smem:$0x3FB7] =	sst s9;
	s0 =	simm.s32 @!p0 $0x0  }
0x12: {  	s1 =	sld [smem:$0x3F9D];
	s0 =	simm.s32 @p0 $0x1  }
0x13: {  	[smem:$0x3FB8] =	sst s0;
	s0 =	simm.s32 @!p1 $0x0  }
0x14: {  	s2 =	sld [smem:$0x3F9C];
	s0 =	simm.s32 @p1 $0x1  }
0x15: {  	[smem:$0x3FB9] =	sst s0;
	s0 =	simm.s32 @!p2 $0x0  }
0x16: {  	s3 =	sld [smem:$0x3FDB];
	s0 =	simm.s32 @p2 $0x1  }
0x17: {  	s4 =	simm.s32 $0x1BF5;
	[smem:$0x3FBB] =	sst s0  }
0x18: {  	s0 =	sld [smem:$0x3F9E];
	_ =	swait.ge [sflag:s4], $0x0  }
0x19: {  	s7 =	sld [smem:$0x3F9F]  }
0x1a: {  	s8 =	sadd.s32 $0xFFFFE003, lr  }
0x1b: {  	s9 =	sadd.s32 $0xFFFFFEF7, lr;
	s5 =	simm.s32 $0xFFFFFFFF;
	p2 =	slt.u32 s8, $0xFFFFF086  }
0x1c: {  	p1 =	slt.u32 s9, $0xF7A;
	s5 =	simm.s32 @!p2 $0x0  }
0x1d: {  	s5 =	simm.s32 @p1 $0x1;
	p0 =	seq.s32 s7, s2  }
0x1e: {  	s7 =	smul.u32 @!p0 $0xF7A, s2;
	p2 =	seq.s32 @!p0 s5, $0x0  }
0x1f: {  	s9 =	smul.u32 $0xF7A, s1;
	s8 =	simm.s32 @!p0 $0x1BF5;
	p2 =	por !p2, p0  }
0x20: {  	[sflag:s8] =	ssyncset.s32 @!p0 $0xFFFFF086;
	s6 =	sadd.s32 @!p0 s3, s7;
	s7 =	simm.s32 @!p0 $0x108  }
0x21: {  	s3 =	sadd.s32 s3, s9;
	s6 =	sadd.s32 @!p0 $0x88, s6;
	s7 =	simm.s32 @p2 $0x1082  }
0x22: {  	[simem:s7], [sflag:s8] =	dma.local @!p0 [hbm:s6], $0xF7A  }
0x23: {  	s9 =	sor.u32 $0xD0000000, s2;
	s6 =	simm.s32 $0x108;
	_ =	swait.ge @!p0 [sflag:s8], $0x0  }
0x24: {  	s3 =	sadd.s32 $0x88, s3;
	s6 =	simm.s32 @!p1 $0x1082;
	[sflag:s4] =	ssyncset.s32 $0xFFFFF086  }
0x25: {  	[simem:s6], [sflag:s4] =	dma.local [hbm:s3], $0xF7A  }
0x26: {  	[smem:$0x3F9F] =	sst s1;
	(tag) =	ssettag s2;
	_ =	strace s9  }
0x27: {  	s1 =	sld [smem:$0x3FAF]  }
0x28: {  	s2 =	sld [smem:$0x3FB0]  }
0x29: {  	s4 =	sld [smem:$0x3FB2]  }
0x2a: {  	p0 =	seq.s32 s5, $0x0;
	s5 =	sld [smem:$0x3FB3]  }
0x2b: {  	s6 =	sld [smem:$0x3FB4]  }
0x2c: {  	s7 =	sld [smem:$0x3FB5]  }
0x2d: {  	s3 =	simm.s32 $0x108;
	s8 =	sld [smem:$0x3FB6]  }
0x2e: {  	s3 =	simm.s32 @!p0 $0x1082;
	s9 =	sld [smem:$0x3FB7]  }
0x2f: {  	lr =	sadd.s32 s0, s3;
	s0 =	sld [smem:$0x3FAE]  }
0x30: {  	s3 =	sld [smem:$0x3FB1]  }
0x31: {  	[smem:$0x3FBA] =	sst s10  }
0x32: {  	s10 =	sld [smem:$0x3FB8];
	_ =	sdelay $0x3  }
0x33: {  	p0 =	seq.s32 s10, $0x1;
	s10 =	sld [smem:$0x3FBA];
	_ =	sdelay $0x3  }
0x34: {  	[smem:$0x3FBA] =	sst s10  }
0x35: {  	s10 =	sld [smem:$0x3FB9];
	_ =	sdelay $0x3  }
0x36: {  	p1 =	seq.s32 s10, $0x1;
	s10 =	sld [smem:$0x3FBA];
	_ =	sdelay $0x3  }
0x37: {  	[smem:$0x3FBA] =	sst s10  }
0x38: {  	s10 =	sld [smem:$0x3FBB]  }
0x39: {  	_ = 	snop;
	(pc) =	sbr.ind lr, $3  }
0x3a: {  	_ = 	snop  }
0x3b: {  	_ = 	snop  }
0x3c: {  	p2 =	seq.s32 s10, $0x1;
	s10 =	sld [smem:$0x3FBA]  }
0x3d: {  	_ =	shalt  }
0x3e: {  	_ =	shalt  }
0x3f: {  	_ =	shalt  }
0x40: {  	_ =	shalt  }
0x41: {  	_ =	shalt  }
0x42: {  	_ =	shalt  }
0x43: {  	_ =	shalt  }
0x44: {  	_ =	shalt  }
0x45: {  	_ =	shalt  }
0x46: {  	_ =	shalt  }
0x47: {  	_ =	shalt  }
0x48: {  	_ =	shalt  }
0x49: {  	_ =	shalt  }
0x4a: {  	_ =	shalt  }
0x4b: {  	_ =	shalt  }
0x4c: {  	_ =	shalt  }
0x4d: {  	_ =	shalt  }
0x4e: {  	_ =	shalt  }
0x4f: {  	_ =	shalt  }
0x50: {  	_ =	shalt  }
0x51: {  	_ =	shalt  }
0x52: {  	_ =	shalt  }
0x53: {  	_ =	shalt  }
0x54: {  	_ =	shalt  }
0x55: {  	_ =	shalt  }
0x56: {  	_ =	shalt  }
0x57: {  	_ =	shalt  }
0x58: {  	_ =	shalt  }
0x59: {  	_ =	shalt  }
0x5a: {  	_ =	shalt  }
0x5b: {  	_ =	shalt  }
0x5c: {  	_ =	shalt  }
0x5d: {  	_ =	shalt  }
0x5e: {  	_ =	shalt  }
0x5f: {  	_ =	shalt  }
0x60: {  	_ =	shalt  }
0x61: {  	_ =	shalt  }
0x62: {  	_ =	shalt  }
0x63: {  	_ =	shalt  }
0x64: {  	_ =	shalt  }
0x65: {  	_ =	shalt  }
0x66: {  	_ =	shalt  }
0x67: {  	_ =	shalt  }
0x68: {  	_ =	shalt  }
0x69: {  	_ =	shalt  }
0x6a: {  	_ =	shalt  }
0x6b: {  	_ =	shalt  }
0x6c: {  	_ =	shalt  }
0x6d: {  	_ =	shalt  }
0x6e: {  	_ =	shalt  }
0x6f: {  	_ =	shalt  }
0x70: {  	_ =	shalt  }
0x71: {  	_ =	shalt  }
0x72: {  	_ =	shalt  }
0x73: {  	_ =	shalt  }
0x74: {  	_ =	shalt  }
0x75: {  	_ =	shalt  }
0x76: {  	_ =	shalt  }
0x77: {  	_ =	shalt  }
0x78: {  	_ =	shalt  }
0x79: {  	_ =	shalt  }
0x7a: {  	_ =	shalt  }
0x7b: {  	_ =	shalt  }
0x7c: {  	_ =	shalt  }
0x7d: {  	_ =	shalt  }
0x7e: {  	_ =	shalt  }
0x7f: {  	_ =	shalt  }
0x80: {  	_ =	shalt  }
0x81: {  	_ =	shalt  }
0x82: {  	_ =	shalt  }
0x83: {  	_ =	shalt  }
0x84: {  	_ =	shalt  }
0x85: {  	_ =	shalt  }
0x86: {  	_ =	shalt  }
0x87: {  	_ =	shalt  }
.Lfunc_end0:
.L_simem_size_0:
called_computation.1_lowered:
.L_overlay_start_0:
0x88: {  	s2 =	sld [smem:$0x3FD9]  }
0x89: {  	s3 =	sld [smem:$0x3FFE];
	_ =	sdelay $0x1  }
0x8a: {  	s1 =	srdreg.scid  }
0x8b: {  	s0 =	sand.u32 $0x1, s1  }
0x8c: {  	s17 =	sshll.u32 s0, $0xA;
	s2 =	sadd.s32 s3, s2  }
0x8d: {  	s2 =	sadd.s32 s2, s17  }
0x8e: {  	[smem:$0x3FC6] =	sst s2  }
0x8f: {  	_ = 	snop  }
0x90: {  	s2 =	sld [smem:$0x3FD0];
	(tm) =	ssettm $0x1  }
0x91: {  	s18 =	sld [smem:$0x3FFB];
	_ =	sdelay $0x3  }
0x92: {  	_ =	strace s18  }
0x93: {  	s3 =	sld [smem:$0x3FFC];
	_ =	sdelay $0x3  }
0x94: {  	_ =	strace s3  }
0x95: {  	s3 =	sld [smem:$0x3FFD];
	_ =	sdelay $0x3  }
0x96: {  	_ =	strace s3  }
0x97: {  	_ =	strace $0x8FFFFFFF  }
0x98: {  	s19 =	sld [smem:$0x3FDB];
	_ =	sdelay $0x1  }
0x99: {  	s4 =	simm.s32 $_scs_section_size  }
0x9a: {  	s5 =	simm.s32 $_size__tile_overlayer_lowered;
	s6 =	simm.s32 $_tile_overlayer_lowered  }
0x9b: {  	s22 =	simm.s32 $0x1BFF;
	s21 =	sshll.u32 s6, $0x1;
	s3 =	sadd.s32 s4, s19  }
0x9c: {  	s7 =	simm.s32 $0x0;
	s20 =	sshll.u32 s5, $0x1;
	s5 =	sadd.s32 s21, s3  }
0x9d: {  	[timem:s7], [sflag:s22] =	dma.local [hbm:s5], s20  }
0x9e: {  	_ =	swait.ge [sflag:s22], s20  }
0x9f: {  	s4 =	ssub.s32 $0x0, s20;
	[sflag:s22] =	ssyncset.done $0x0  }
0xa0: {  	[sflag:s22] =	ssyncadd.s32 s4;
	_ =	sdelay $0x1  }
0xa1: {  	s23 =	simm.s32 $0x1B8B  }
0xa2: {  	_ =	swait.ge [sflag:s23], $0x1  }
0xa3: {  	[sflag:s23] =	ssyncset.done $0x0  }
0xa4: {  	s25 =	simm.s32 $0x1B8E;
	s24 =	sld [smem:$0x3FFE];
	[sflag:s23] =	ssyncadd.s32 $0xFFFFFFFF  }
0xa5: {  	s26 =	simm.s32 $execute0_lowered;
	[smem:$0x3FD2] =	sst s25  }
0xa6: {  	s5 =	sshll.u32 s26, $0x1;
	_ =	strace $0x80000046;
	[dreg:$0x1] =	wrdreg $0xFFFFFFFF  }
0xa7: {  	s28 =	simm.s32 $_size_execute0_lowered;
	s3 =	sadd.s32 s3, s5;
	[dreg:$0x0] =	wrdreg $0x0  }
0xa8: {  	s5 =	sshll.u32 s28, $0x1;
	[dreg:$0x2] =	wrdreg s3  }
0xa9: {  	[dreg:$0x3] =	wrdreg s5  }
0xaa: {  	[dreg:$0x4] =	wrdreg $0xC0  }
0xab: {  	_ =	task [dreg:s7], $0x5FFFF  }
0xac: {  	[dreg:$0x1] =	wrdreg $0xFFFFFFFF  }
0xad: {  	[dreg:$0x0] =	wrdreg $0x60  }
0xae: {  	[dreg:$0x2] =	wrdreg s24  }
0xaf: {  	[dreg:$0x3] =	wrdreg s2  }
0xb0: {  	[dreg:$0x4] =	wrdreg $0x9  }
0xb1: {  	_ =	task.clear_ibuf [dreg:s7], $0x5FFFF;
	_ =	strace $0x90000046  }
0xb2: {  	s29 =	simm.s32 $0x9;
	_ =	strace $0x80000048  }
0xb3: {  	_ =	swait.ge [sflag:s29], $0x1  }
0xb4: {  	[sflag:s29] =	ssyncadd.s32 $0xFFFFFFFF  }
0xb5: {  	_ =	strace $0x90000048  }
0xb6: {  	_ =	sfence  }
0xb7: {  	s30 =	sld [smem:$0x0];
	_ =	sdelay $0x2  }
0xb8: {  	s31 =	sshll.u32 s1, $0xD;
	s1 =	sshrl.u32 s1, $0x2  }
0xb9: {  	s3 =	sand.u32 $0x4000, s31;
	s1 =	sadd.s32 s1, s30  }
0xba: {  	s0 =	sor.u32 s3, s0;
	s1 =	sshll.u32 s1, $0x11  }
0xbb: {  	s0 =	sor.u32 s1, s0  }
0xbc: {  	s0 =	sadd.s32 $0x8F2B, s0  }
0xbd: {  	[sflag:s0] =	ssyncadd.remote.s32 $0x1  }
0xbe: {  	_ =	sfence.sel $0xFFFF  }
0xbf: {  	[dreg:$0x0] =	wrdreg $0xFFFFFFFF;
	(pc) =	sbr.abs _section_cstart, $3  }
0xc0: {  	[dreg:$0x1] =	wrdreg $0xFFFFFFFF  }
0xc1: {  	_ =	task.clear_ibuf [dreg:s7], $0x2FFFF;
	_ =	strace $0x9FFFFFFF  }
0xc2: {  	(tm) =	ssettm $0x7FFFFFFF  }
0xc3: {  	_ =	shalt  }
tec
execute0_lowered:
.L_overlay_start_1:
0x0: {  	(tag) =	ssettag $0x1  }
0x1: {  	s0 =	rddreg [dreg:$0x0]  }
0x2: {  	s2 =	rddreg [dreg:$0x1];
	s1 =	srdreg.scid;
	s3 =	simm.s32 $0x0  }
0x3: {  	s9 =	stileid.u32;
	s28 =	simm.s32 $0x2;
	s30 =	simm.s32 $0xE400  }
0x4: {  	s31 =	simm.s32 $0x3;
	s29 =	simm.s32 $0x9;
	s1 =	sand.u32 $0x1, s1  }
0x5: {  	[smem:$0x7FF] =	sst s3;
	s4 =	sshll.u32 s9, $0x8;
	s15 =	sshll.u32 s9, $0xE  }
0x6: {  	s5 =	sshll.u32 s1, $0x7;
	_ =	strace $0x80000047;
	s6 =	ssub.s32 $0x2, s1  }
0x7: {  	s1 =	sshll.u32 s1, $0xD;
	s5 =	sor.u32 s5, s4;
	s4 =	sadd.s32 $0xF42E00, s0  }
0x8: {  	s8 =	sshrl.u32 s6, $0x1;
	s17 =	sor.u32 s1, s15;
	s7 =	sshrl.u32 s5, $0x3  }
0x9: {  	s6 =	ssub.s32 s6, s8;
	s5 =	sshll.u32 s5, $0x3;
	s20 =	sor.u32 $0x100000, s17  }
0xa: {  	s23 =	sor.u32 $0xC0000, s17;
	s24 =	sor.u32 $0x80000, s17;
	s25 =	sor.u32 $0x180000, s17  }
0xb: {  	s0 =	sadd.s32 s7, s0;
	s14 =	sadd.s32 s2, s5;
	s22 =	smax.u32 s6, $0x1  }
0xc: {  	s1 =	sshrl.u32 s20, $0x3;
	s5 =	sshrl.u32 s24, $0x3;
	s26 =	sshrl.u32 s25, $0x3  }
0xd: {  	s20 =	simm.s32 $0x6400;
	s24 =	simm.s32 $0x1;
	[dreg:$0x3] =	wrdreg s14  }
0xe: {  	s25 =	simm.s32 $0x8;
	s0 =	sadd.s32 $0xA00, s0;
	[dreg:$0x9] =	wrdreg s22  }
0xf: {  	s6 =	simm.s32 $0xA;
	s16 =	sadd.s32 $0x8000, s14;
	[dreg:$0x4] =	wrdreg s0  }
0x10: {  	s7 =	simm.s32 $0x0;
	s18 =	sadd.s32 $0x628000, s14;
	[dreg:$0x5] =	wrdreg s16  }
0x11: {  	s19 =	sadd.s32 $0x630000, s14;
	s21 =	sadd.s32 $0x638000, s14;
	[dreg:$0x6] =	wrdreg s18  }
0x12: {  	s1 =	sadd.s32 s1, s2;
	s14 =	sadd.s32 s5, s2;
	[dreg:$0x7] =	wrdreg s19  }
0x13: {  	s15 =	sadd.s32 s26, s2;
	s26 =	simm.s32 $0xC400;
	[dreg:$0x8] =	wrdreg s21  }
0x14: {  	s22 =	simm.s32 $0x5;
	[dreg:$0xa] =	wrdreg s1;
	s1 =	sshrl.u32 s23, $0x3  }
0x15: {  	s16 =	sor.u32 $0x140000, s17;
	s17 =	simm.s32 $0x80;
	s21 =	simm.s32 $0x8400  }
0x16: {  	s23 =	simm.s32 $0xA400;
	s0 =	simm.s32 $0x6;
	s1 =	sadd.s32 s1, s2  }
0x17: {  	s18 =	simm.s32 $0x7;
	[dreg:$0xb] =	wrdreg s1;
	s1 =	simm.s32 $0x4  }
.LBB2_1:
0x18: {  	s5 =	rddreg [dreg:$0x4];
	s8 =	simm.s32 $0x1000;
	s9 =	simm.s32 $0xB  }
0x19: {  	[tilespmem:s3], [sflag:$0xB] =	stream.strided.gather [hbm4b:s5+s17], $0x6400, s8, s17, $0x38;
	[tilespmem:$0x10400] =	vst v63  }
0x1a: {  	_ =	swait.ge [sflag:s9], $0x6400  }
0x1b: {  	[sflag:s9] =	ssyncset.done $0x0  }
0x1c: {  	[sflag:s9] =	ssyncadd.s32 $0xFFFF9C00  }
0x1d: {  	[tilespmem:s20], [sflag:$0x1] =	stream.indirect.gather [hbm4b:s4+s17], $0x40, s3, s17, $0xb8;
	[tilespmem:$0x10400] =	vst v63  }
0x1e: {  	_ = 	snop  }
0x1f: {  	[tilespmem:s21], [sflag:$0x2] =	stream.indirect.gather [hbm4b:s4+s17], $0x40, s17, s17, $0xb8;
	[tilespmem:$0x10400] =	vst v63  }
0x20: {  	s10 =	simm.s32 $0x100  }
0x21: {  	[tilespmem:s23], [sflag:$0x3] =	stream.indirect.gather [hbm4b:s4+s17], $0x40, s10, s17, $0xb8;
	[tilespmem:$0x10400] =	vst v63  }
0x22: {  	_ =	swait.ge [sflag:s24], $0x2000  }
0x23: {  	[sflag:s24] =	ssyncset.done $0x0  }
0x24: {  	s11 =	rddreg [dreg:$0x3];
	[sflag:s24] =	ssyncadd.s32 $0xFFFFE000  }
0x25: {  	[hbm4b:s11+s3] =	stream.linear.scatter [tilespmem:s20], [sflag:$0x6], $0x2000, $0x38;
	[tilespmem:$0x10400] =	vst v63  }
0x26: {  	s12 =	simm.s32 $0x180  }
0x27: {  	[tilespmem:s26], [sflag:$0x4] =	stream.indirect.gather [hbm4b:s4+s17], $0x40, s12, s17, $0xb8;
	[tilespmem:$0x10400] =	vst v63  }
0x28: {  	_ =	swait.ge [sflag:s28], $0x2000  }
0x29: {  	[sflag:s28] =	ssyncset.done $0x0  }
0x2a: {  	s13 =	rddreg [dreg:$0x5];
	[sflag:s28] =	ssyncadd.s32 $0xFFFFE000  }
0x2b: {  	[hbm4b:s13+s3] =	stream.linear.scatter [tilespmem:s21], [sflag:$0x7], $0x2000, $0x38;
	[tilespmem:$0x10400] =	vst v63  }
0x2c: {  	s19 =	simm.s32 $0x200  }
0x2d: {  	[tilespmem:s30], [sflag:$0x5] =	stream.indirect.gather [hbm4b:s4+s17], $0x40, s19, s17, $0xb8;
	[tilespmem:$0x10400] =	vst v63  }
0x2e: {  	_ =	swait.ge [sflag:s31], $0x2000  }
0x2f: {  	[sflag:s31] =	ssyncset.done $0x0  }
0x30: {  	[sflag:s31] =	ssyncadd.s32 $0xFFFFE000  }
0x31: {  	[hbm4b:s14+s3] =	stream.linear.scatter [tilespmem:s23], [sflag:$0x8], $0x2000, $0x38;
	[tilespmem:$0x10400] =	vst v63  }
0x32: {  	_ =	swait.ge [sflag:s0], $0x2000  }
0x33: {  	[sflag:s0] =	ssyncset.done $0x0  }
0x34: {  	s8 =	simm.s32 $0x280;
	[sflag:s0] =	ssyncadd.s32 $0xFFFFE000  }
0x35: {  	[tilespmem:s20], [sflag:$0x1] =	stream.indirect.gather [hbm4b:s4+s17], $0x40, s8, s17, $0xb8;
	[tilespmem:$0x10400] =	vst v63  }
0x36: {  	_ =	swait.ge [sflag:s1], $0x2000  }
0x37: {  	[sflag:s1] =	ssyncset.done $0x0  }
0x38: {  	s11 =	rddreg [dreg:$0xb];
	[sflag:s1] =	ssyncadd.s32 $0xFFFFE000  }
0x39: {  	[hbm4b:s11+s3] =	stream.linear.scatter [tilespmem:s26], [sflag:$0x9], $0x2000, $0x38;
	[tilespmem:$0x10400] =	vst v63  }
0x3a: {  	_ =	swait.ge [sflag:s18], $0x2000  }
0x3b: {  	[sflag:s18] =	ssyncset.done $0x0  }
0x3c: {  	s9 =	simm.s32 $0x300;
	[sflag:s18] =	ssyncadd.s32 $0xFFFFE000  }
0x3d: {  	[tilespmem:s21], [sflag:$0x2] =	stream.indirect.gather [hbm4b:s4+s17], $0x40, s9, s17, $0xb8;
	[tilespmem:$0x10400] =	vst v63  }
0x3e: {  	_ =	swait.ge [sflag:s22], $0x2000  }
0x3f: {  	[sflag:s22] =	ssyncset.done $0x0  }
0x40: {  	s13 =	rddreg [dreg:$0xa];
	[sflag:s22] =	ssyncadd.s32 $0xFFFFE000  }
0x41: {  	[hbm4b:s13+s3] =	stream.linear.scatter [tilespmem:s30], [sflag:$0xA], $0x2000, $0x38;
	[tilespmem:$0x10400] =	vst v63  }
0x42: {  	_ =	swait.ge [sflag:s25], $0x2000  }
0x43: {  	[sflag:s25] =	ssyncset.done $0x0  }
0x44: {  	s10 =	simm.s32 $0x380;
	[sflag:s25] =	ssyncadd.s32 $0xFFFFE000  }
0x45: {  	[tilespmem:s23], [sflag:$0x3] =	stream.indirect.gather [hbm4b:s4+s17], $0x40, s10, s17, $0xb8;
	[tilespmem:$0x10400] =	vst v63  }
0x46: {  	_ =	swait.ge [sflag:s24], $0x2000  }
0x47: {  	s12 =	sshrl.u32 s16, $0x3;
	[sflag:s24] =	ssyncset.done $0x0  }
0x48: {  	s5 =	sadd.s32 s2, s12;
	[sflag:s24] =	ssyncadd.s32 $0xFFFFE000  }
0x49: {  	[hbm4b:s5+s3] =	stream.linear.scatter [tilespmem:s20], [sflag:$0x6], $0x2000, $0x38;
	[tilespmem:$0x10400] =	vst v63  }
0x4a: {  	_ =	swait.ge [sflag:s29], $0x2000  }
0x4b: {  	[sflag:s29] =	ssyncset.done $0x0  }
0x4c: {  	s19 =	simm.s32 $0x400;
	[sflag:s29] =	ssyncadd.s32 $0xFFFFE000  }
0x4d: {  	[tilespmem:s26], [sflag:$0x4] =	stream.indirect.gather [hbm4b:s4+s17], $0x40, s19, s17, $0xb8;
	[tilespmem:$0x10400] =	vst v63  }
0x4e: {  	_ =	swait.ge [sflag:s28], $0x2000  }
0x4f: {  	[sflag:s28] =	ssyncset.done $0x0  }
0x50: {  	s12 =	simm.s32 $0x480;
	[sflag:s28] =	ssyncadd.s32 $0xFFFFE000  }
0x51: {  	[hbm4b:s15+s3] =	stream.linear.scatter [tilespmem:s21], [sflag:$0x7], $0x2000, $0x38;
	[tilespmem:$0x10400] =	vst v63  }
0x52: {  	s8 =	simm.s32 $0xA00;
	s11 =	sadd.s32 $0x28000, s11;
	_ =	swait.ge [sflag:s6], $0x2000  }
0x53: {  	s9 =	sadd.s32 $0x28000, s15;
	s10 =	sadd.s32 $0x140000, s16;
	[sflag:s6] =	ssyncset.done $0x0  }
0x54: {  	s5 =	sadd.s32 $0x28000, s14;
	s19 =	sadd.s32 $0x28000, s13;
	[sflag:s6] =	ssyncadd.s32 $0xFFFFE000  }
.LBB2_2:
0x55: {  	[tilespmem:s30], [sflag:$0x5] =	stream.indirect.gather [hbm4b:s4+s17], $0x40, s12, s17, $0xb8;
	[tilespmem:$0x10400] =	vst v63  }
0x56: {  	s12 =	smov.u32 s8  }
0x57: {  	p0 =	sne.s32 s8, $0x17C00;
	s8 =	sadd.s32 $0xA00, s8;
	_ =	swait.ge [sflag:s31], $0x2000  }
0x58: {  	[sflag:s31] =	ssyncset.done $0x0  }
0x59: {  	[sflag:s31] =	ssyncadd.s32 $0xFFFFE000  }
0x5a: {  	[hbm4b:s5+s3] =	stream.linear.scatter [tilespmem:s23], [sflag:$0x8], $0x2000, $0x38;
	[tilespmem:$0x10400] =	vst v63  }
0x5b: {  	_ =	swait.ge [sflag:s0], $0x2000  }
0x5c: {  	s12 =	sshra.s32 s12, $0x2;
	[sflag:s0] =	ssyncset.done $0x0  }
0x5d: {  	s13 =	sadd.s32 $0x280, s12;
	[sflag:s0] =	ssyncadd.s32 $0xFFFFE000  }
0x5e: {  	[tilespmem:s20], [sflag:$0x1] =	stream.indirect.gather [hbm4b:s4+s17], $0x40, s13, s17, $0xb8;
	[tilespmem:$0x10400] =	vst v63  }
0x5f: {  	_ =	swait.ge [sflag:s1], $0x2000  }
0x60: {  	[sflag:s1] =	ssyncset.done $0x0  }
0x61: {  	[sflag:s1] =	ssyncadd.s32 $0xFFFFE000  }
0x62: {  	[hbm4b:s11+s3] =	stream.linear.scatter [tilespmem:s26], [sflag:$0x9], $0x2000, $0x38;
	[tilespmem:$0x10400] =	vst v63  }
0x63: {  	_ =	swait.ge [sflag:s18], $0x2000  }
0x64: {  	[sflag:s18] =	ssyncset.done $0x0  }
0x65: {  	s13 =	sadd.s32 $0x300, s12;
	[sflag:s18] =	ssyncadd.s32 $0xFFFFE000  }
0x66: {  	[tilespmem:s21], [sflag:$0x2] =	stream.indirect.gather [hbm4b:s4+s17], $0x40, s13, s17, $0xb8;
	[tilespmem:$0x10400] =	vst v63  }
0x67: {  	_ =	swait.ge [sflag:s22], $0x2000  }
0x68: {  	[sflag:s22] =	ssyncset.done $0x0  }
0x69: {  	[sflag:s22] =	ssyncadd.s32 $0xFFFFE000  }
0x6a: {  	[hbm4b:s19+s3] =	stream.linear.scatter [tilespmem:s30], [sflag:$0xA], $0x2000, $0x38;
	[tilespmem:$0x10400] =	vst v63  }
0x6b: {  	_ =	swait.ge [sflag:s25], $0x2000  }
0x6c: {  	[sflag:s25] =	ssyncset.done $0x0  }
0x6d: {  	s13 =	sadd.s32 $0x380, s12;
	[sflag:s25] =	ssyncadd.s32 $0xFFFFE000  }
0x6e: {  	[tilespmem:s23], [sflag:$0x3] =	stream.indirect.gather [hbm4b:s4+s17], $0x40, s13, s17, $0xb8;
	[tilespmem:$0x10400] =	vst v63  }
0x6f: {  	_ =	swait.ge [sflag:s24], $0x2000  }
0x70: {  	s13 =	sshrl.u32 s10, $0x3;
	[sflag:s24] =	ssyncset.done $0x0  }
0x71: {  	s13 =	sadd.s32 s2, s13;
	[sflag:s24] =	ssyncadd.s32 $0xFFFFE000  }
0x72: {  	[hbm4b:s13+s3] =	stream.linear.scatter [tilespmem:s20], [sflag:$0x6], $0x2000, $0x38;
	[tilespmem:$0x10400] =	vst v63  }
0x73: {  	_ =	swait.ge [sflag:s29], $0x2000  }
0x74: {  	[sflag:s29] =	ssyncset.done $0x0  }
0x75: {  	s13 =	sadd.s32 $0x400, s12;
	[sflag:s29] =	ssyncadd.s32 $0xFFFFE000  }
0x76: {  	[tilespmem:s26], [sflag:$0x4] =	stream.indirect.gather [hbm4b:s4+s17], $0x40, s13, s17, $0xb8;
	[tilespmem:$0x10400] =	vst v63  }
0x77: {  	_ =	swait.ge [sflag:s28], $0x2000  }
0x78: {  	[sflag:s28] =	ssyncset.done $0x0  }
.Ltmp0:
0x79: {  	[sflag:s28] =	ssyncadd.s32 $0xFFFFE000;
	(pc) =	sbr.rel @p0 .LBB2_2-.Ltmp0, $4  }
0x7a: {  	[hbm4b:s9+s3] =	stream.linear.scatter [tilespmem:s21], [sflag:$0x7], $0x2000, $0x38;
	[tilespmem:$0x10400] =	vst v63  }
0x7b: {  	s10 =	sadd.s32 $0x140000, s10;
	s9 =	sadd.s32 $0x28000, s9;
	_ =	swait.ge [sflag:s6], $0x2000  }
0x7c: {  	s5 =	sadd.s32 $0x28000, s5;
	s11 =	sadd.s32 $0x28000, s11;
	[sflag:s6] =	ssyncset.done $0x0  }
0x7d: {  	s19 =	sadd.s32 $0x28000, s19;
	s12 =	sadd.s32 $0x480, s12;
	[sflag:s6] =	ssyncadd.s32 $0xFFFFE000  }
0x7e: {  	[tilespmem:s30], [sflag:$0x5] =	stream.indirect.gather [hbm4b:s4+s17], $0x40, s12, s17, $0xb8;
	[tilespmem:$0x10400] =	vst v63  }
0x7f: {  	_ =	swait.ge [sflag:s31], $0x2000  }
0x80: {  	[sflag:s31] =	ssyncset.done $0x0  }
0x81: {  	s5 =	rddreg [dreg:$0x6];
	[sflag:s31] =	ssyncadd.s32 $0xFFFFE000  }
0x82: {  	[hbm4b:s5+s3] =	stream.linear.scatter [tilespmem:s23], [sflag:$0x8], $0x2000, $0x38;
	[tilespmem:$0x10400] =	vst v63  }
0x83: {  	_ =	swait.ge [sflag:s1], $0x2000  }
0x84: {  	[sflag:s1] =	ssyncset.done $0x0  }
0x85: {  	s12 =	rddreg [dreg:$0x7];
	[sflag:s1] =	ssyncadd.s32 $0xFFFFE000  }
0x86: {  	[hbm4b:s12+s3] =	stream.linear.scatter [tilespmem:s26], [sflag:$0x9], $0x2000, $0x38;
	[tilespmem:$0x10400] =	vst v63  }
0x87: {  	_ =	swait.ge [sflag:s22], $0x2000  }
0x88: {  	[sflag:s22] =	ssyncset.done $0x0  }
0x89: {  	s13 =	rddreg [dreg:$0x8];
	[sflag:s22] =	ssyncadd.s32 $0xFFFFE000  }
0x8a: {  	[hbm4b:s13+s3] =	stream.linear.scatter [tilespmem:s30], [sflag:$0xA], $0x2000, $0x38;
	[tilespmem:$0x10400] =	vst v63  }
0x8b: {  	_ =	swait.ge [sflag:s0], $0x2000  }
0x8c: {  	[sflag:s0] =	ssyncset.done $0x0  }
0x8d: {  	[sflag:s0] =	ssyncadd.s32 $0xFFFFE000  }
0x8e: {  	_ =	swait.ge [sflag:s18], $0x2000  }
0x8f: {  	[sflag:s18] =	ssyncset.done $0x0  }
0x90: {  	[sflag:s18] =	ssyncadd.s32 $0xFFFFE000  }
0x91: {  	_ =	swait.ge [sflag:s25], $0x2000  }
0x92: {  	[sflag:s25] =	ssyncset.done $0x0  }
0x93: {  	[sflag:s25] =	ssyncadd.s32 $0xFFFFE000  }
0x94: {  	_ =	swait.ge [sflag:s29], $0x2000  }
0x95: {  	[sflag:s29] =	ssyncset.done $0x0  }
0x96: {  	[sflag:s29] =	ssyncadd.s32 $0xFFFFE000  }
0x97: {  	_ =	swait.ge [sflag:s6], $0x2000  }
0x98: {  	s7 =	sadd.s32 $0x1, s7;
	s19 =	rddreg [dreg:$0x9]  }
0x99: {  	p0 =	sne.s32 s7, s19  }
.Ltmp1:
0x9a: {  	_ = 	snop;
	(pc) =	sbr.rel @p0 .LBB2_1-.Ltmp1, $3  }
0x9b: {  	_ =	sdelay $0x1  }
0x9c: {  	[sflag:s6] =	ssyncset.done $0x0  }
0x9d: {  	[sflag:s6] =	ssyncadd.s32 $0xFFFFE000  }
0x9e: {  	_ =	sfence.sel $0x180000  }
0x9f: {  	[bflag:$0x0] =	sbarrier.arrive $0xFFFF  }
0xa0: {  	_ =	strace $0x90000047  }
0xa1: {  	s0 =	stileid.u32;
	[bflag:$0x2] =	sbarrier.arrive $0xFFFF  }
0xa2: {  	p0 =	sne.s32 s0, $0x0;
	s0 =	rddreg [dreg:$0x2]  }
0xa3: {  	s0 =	sadd.s32 @!p0 $0x100000, s0  }
0xa4: {  	[sflag:s0] =	ssyncadd.tile.s32 @!p0 $0x1;
	_ =	shalt  }
.Lfunc_end2:
_tile_overlayer_lowered:
.L_overlay_start_2:
0xa5: {  	(tag) =	ssettag $0x2  }
0xa6: {  	s0 =	rddreg [dreg:$0x0];
	s2 =	stileid.u32  }
0xa7: {  	s1 =	rddreg [dreg:$0x1];
	p0 =	sne.s32 s2, $0x0  }
0xa8: {  	s3 =	rddreg [dreg:$0x2];
	[bflag:$0x3] =	sbarrier.arrive $0xFFFF;
	s2 =	simm.s32 @!p0 $0x1C0B  }
0xa9: {  	[timem:s3], [sflag:s2] =	dma.local @!p0 [hbm:s0], s1  }
0xaa: {  	s0 =	simm.s32 @!p0 $0xB  }
0xab: {  	_ =	swait.ge @!p0 [sflag:s0], s1  }
0xac: {  	s1 =	ssub.s32 @!p0 $0x0, s1;
	[sflag:s0] =	ssyncset.done @!p0 $0x0  }
0xad: {  	[sflag:s0] =	ssyncadd.s32 @!p0 s1  }
0xae: {  	[bflag:$0x3] =	sbarrier.arrive $0xFFFF  }
0xaf: {  	_ =	shalt  }

// kernel: sparse-core-data-format-call.cloned.1.call-start
scs
called_computation_lowered:
.L_overlay_start_0:
0x0: {  	s2 =	sld [smem:$0x3FD9]  }
0x1: {  	s3 =	sld [smem:$0x3FFE];
	_ =	sdelay $0x1  }
0x2: {  	s1 =	srdreg.scid  }
0x3: {  	s0 =	sand.u32 $0x1, s1  }
0x4: {  	s18 =	sshll.u32 s0, $0xA;
	s2 =	sadd.s32 s3, s2  }
0x5: {  	s2 =	sadd.s32 s2, s18  }
0x6: {  	[smem:$0x3FC6] =	sst s2  }
0x7: {  	_ = 	snop  }
0x8: {  	s2 =	sld [smem:$0x3FD0];
	(tm) =	ssettm $0x1  }
0x9: {  	s19 =	sld [smem:$0x3FFB];
	_ =	sdelay $0x3  }
0xa: {  	_ =	strace s19  }
0xb: {  	s3 =	sld [smem:$0x3FFC];
	_ =	sdelay $0x3  }
0xc: {  	_ =	strace s3  }
0xd: {  	s3 =	sld [smem:$0x3FFD];
	_ =	sdelay $0x3  }
0xe: {  	_ =	strace s3  }
0xf: {  	_ =	strace $0x8FFFFFFF  }
0x10: {  	s20 =	sld [smem:$0x3FDB];
	_ =	sdelay $0x1  }
0x11: {  	s4 =	simm.s32 $_scs_section_size  }
0x12: {  	s5 =	simm.s32 $_size__tile_overlayer_lowered;
	s6 =	simm.s32 $_tile_overlayer_lowered  }
0x13: {  	s23 =	simm.s32 $0x1BFF;
	s22 =	sshll.u32 s6, $0x1;
	s3 =	sadd.s32 s4, s20  }
0x14: {  	s7 =	simm.s32 $0x0;
	s21 =	sshll.u32 s5, $0x1;
	s5 =	sadd.s32 s22, s3  }
0x15: {  	[timem:s7], [sflag:s23] =	dma.local [hbm:s5], s21  }
0x16: {  	_ =	swait.ge [sflag:s23], s21  }
0x17: {  	s4 =	ssub.s32 $0x0, s21;
	[sflag:s23] =	ssyncset.done $0x0  }
0x18: {  	[sflag:s23] =	ssyncadd.s32 s4;
	_ =	sdelay $0x1  }
0x19: {  	s24 =	simm.s32 $0x1B8B  }
0x1a: {  	_ =	swait.ge [sflag:s24], $0x1  }
0x1b: {  	[sflag:s24] =	ssyncset.done $0x0  }
0x1c: {  	s26 =	simm.s32 $0x1B8E;
	s25 =	sld [smem:$0x3FFE];
	[sflag:s24] =	ssyncadd.s32 $0xFFFFFFFF  }
0x1d: {  	s27 =	simm.s32 $execute0_lowered;
	[smem:$0x3FD2] =	sst s26  }
0x1e: {  	s5 =	sshll.u32 s27, $0x1;
	_ =	strace $0x80000049;
	[dreg:$0x1] =	wrdreg $0xFFFFFFFF  }
0x1f: {  	s28 =	simm.s32 $_size_execute0_lowered;
	s3 =	sadd.s32 s3, s5;
	[dreg:$0x0] =	wrdreg $0x0  }
0x20: {  	s5 =	sshll.u32 s28, $0x1;
	[dreg:$0x2] =	wrdreg s3  }
0x21: {  	[dreg:$0x3] =	wrdreg s5  }
0x22: {  	[dreg:$0x4] =	wrdreg $0xC0  }
0x23: {  	_ =	task [dreg:s7], $0x5FFFF  }
0x24: {  	[dreg:$0x1] =	wrdreg $0xFFFFFFFF  }
0x25: {  	[dreg:$0x0] =	wrdreg $0x60  }
0x26: {  	[dreg:$0x2] =	wrdreg s25  }
0x27: {  	[dreg:$0x3] =	wrdreg s2  }
0x28: {  	[dreg:$0x4] =	wrdreg $0x9  }
0x29: {  	_ =	task.clear_ibuf [dreg:s7], $0x5FFFF;
	_ =	strace $0x90000049  }
0x2a: {  	s29 =	simm.s32 $0x9;
	_ =	strace $0x8000004B  }
0x2b: {  	_ =	swait.ge [sflag:s29], $0x1  }
0x2c: {  	[sflag:s29] =	ssyncadd.s32 $0xFFFFFFFF  }
0x2d: {  	_ =	strace $0x9000004B  }
0x2e: {  	_ =	sfence  }
0x2f: {  	s30 =	sld [smem:$0x0];
	_ =	sdelay $0x2  }
0x30: {  	s31 =	sshll.u32 s1, $0xD;
	s1 =	sshrl.u32 s1, $0x2  }
0x31: {  	s3 =	sand.u32 $0x4000, s31;
	s1 =	sadd.s32 s1, s30  }
0x32: {  	s0 =	sor.u32 s3, s0;
	s1 =	sshll.u32 s1, $0x11  }
0x33: {  	s0 =	sor.u32 s1, s0  }
0x34: {  	s0 =	sadd.s32 $0x8F2B, s0  }
0x35: {  	[sflag:s0] =	ssyncadd.remote.s32 $0x1  }
0x36: {  	_ =	sfence.sel $0xFFFF  }
0x37: {  	[dreg:$0x0] =	wrdreg $0xFFFFFFFF;
	(pc) =	sbr.abs _section_cstart, $3  }
0x38: {  	[dreg:$0x1] =	wrdreg $0xFFFFFFFF  }
0x39: {  	_ =	task.clear_ibuf [dreg:s7], $0x2FFFF;
	_ =	strace $0x9FFFFFFF  }
0x3a: {  	(tm) =	ssettm $0x7FFFFFFF  }
0x3b: {  	_ =	shalt  }
tec
execute0_lowered:
.L_overlay_start_1:
0x0: {  	(tag) =	ssettag $0x1  }
0x1: {  	s0 =	srdreg.scid  }
0x2: {  	s1 =	sshll.u32 s0, $0x4  }
0x3: {  	s5 =	rddreg [dreg:$0x0];
	s0 =	stileid.u32;
	s1 =	sand.u32 $0x10, s1  }
0x4: {  	s3 =	rddreg [dreg:$0x1];
	s31 =	simm.s32 $0x2;
	s4 =	sor.u32 s0, s1  }
0x5: {  	s13 =	simm.s32 $0x0;
	s9 =	simm.s32 $0x400;
	s2 =	sshll.u32 s4, $0x7  }
0x6: {  	s10 =	simm.s32 $0x8000;
	s14 =	simm.s32 $0x0;
	s6 =	ssub.s32 $0x1000, s2  }
0x7: {  	s1 =	rddreg [dreg:$0x2];
	_ =	strace $0x8000004A;
	s7 =	sand.u32 $0xF80, s6  }
0x8: {  	s4 =	sshll.u32 s4, $0xB;
	p0 =	sne.s32 s7, $0x0;
	s7 =	simm.s32 $0x1  }
.Ltmp0:
0x9: {  	s6 =	sshrl.u32 s6, $0xC;
	s7 =	simm.s32 @!p0 $0x0;
	(pc) =	sbr.rel .LBB1_1-.Ltmp0, $4  }
0xa: {  	s8 =	sadd.s32 s4, s5;
	s4 =	simm.s32 $0x1;
	s30 =	sadd.s32 s7, s6  }
0xb: {  	s11 =	simm.s32 $0x0;
	[sflag:s4] =	ssyncpa.u1 $0x0;
	s5 =	smul.u32 $0x64, s30  }
0xc: {  	s12 =	simm.s32 $0x0;
	[sflag:s31] =	ssyncpa.u1 $0x0;
	p0 =	por $0x0, $0x0  }
0xd: {  	s6 =	sadd.s32 $0xA00, s8;
	s7 =	sadd.s32 $0x10A00, s8;
	s8 =	sor.u32 $0x1, s5  }
.LBB1_7:
0xe: {  	s15 =	sadd.s32 $0x2, s11  }
0xf: {  	p2 =	sgt.s32 s15, $0xC7  }
0x10: {  	s15 =	simm.s32 @p2 $0x0;
	p2 =	sne.s32 s12, s8  }
.Ltmp1:
0x11: {  	p1 =	slt.u32 s12, $0x2;
	(pc) =	sbr.rel @!p2 .LBB1_8-.Ltmp1, $4  }
0x12: {  	s13 =	simm.s32 @!p1 $0x2  }
0x13: {  	s16 =	sadd.s32 $0x1, s12;
	s14 =	smov.u32 s11;
	_ =	swait.ge @!p1 [sflag:s13], $0x4000  }
0x14: {  	p0 =	por !p0, !p0;
	s12 =	smov.u32 s16;
	[sflag:s13] =	ssyncset.done @!p1 $0x0  }
0x15: {  	s11 =	smov.u32 s15;
	[sflag:s13] =	ssyncadd.s32 @!p1 $0xFFFFC000;
	s13 =	smov.u32 s2  }
.LBB1_1:
0x16: {  	p1 =	sge.u32 s12, s5  }
0x17: {  	s15 =	sxor.u32 @!p1 $0xFFFFFFFF, s12  }
0x18: {  	s16 =	sshll.u32 @!p1 s11, $0x10;
	s18 =	simm.s32 @!p1 $0x40;
	s15 =	sshll.u32 @!p1 s15, $0xE  }
0x19: {  	s19 =	simm.s32 @!p1 $0x80;
	s17 =	sadd.s32 @!p1 s16, s6;
	s15 =	sand.u32 @!p1 $0x4000, s15  }
0x1a: {  	[tilespmem:s15], [sflag:$0x1] =	stream.strided.gather @!p1 [hbm4b:s17+s18], $0x2000, s19, s18, $0x38;
	[tilespmem:$0x10100] =	vst v63  }
0x1b: {  	s31 =	sadd.s32 $0xFFFFFFFF, s12;
	s16 =	sadd.s32 @!p1 s16, s7;
	s15 =	sor.u32 @!p1 $0x2000, s15  }
0x1c: {  	[tilespmem:s15], [sflag:$0x1] =	stream.strided.gather @!p1 [hbm4b:s16+s18], $0x2000, s19, s18, $0x38;
	[tilespmem:$0x10100] =	vst v63  }
0x1d: {  	p1 =	sge.u32 s31, s5  }
.Ltmp2:
0x1e: {  	_ = 	snop;
	(pc) =	sbr.rel @p1 .LBB1_7-.Ltmp2, $1  }
0x1f: {  	_ =	sdelay $0x3  }
0x20: {  	s15 =	simm.s32 $0x1;
	s17 =	sand.u32 $0x1, s12  }
0x21: {  	_ =	swait.ge [sflag:s4], $0x4000;
	s15 =	simm.s32 @!p0 $0x0;
	s17 =	smul.u32 $0x10200, s17  }
0x22: {  	p2 =	por $0x1, $0x1;
	[sflag:s4] =	ssyncset.done $0x0;
	s16 =	smul.u32 $0x10200, s15  }
0x23: {  	s18 =	sshll.u32 s15, $0x10;
	[sflag:s4] =	ssyncadd.s32 $0xFFFFC000;
	s30 =	sshrl.u32 s17, $0x2  }
0x24: {  	s31 =	sshrl.u32 s18, $0x2;
	s18 =	simm.s32 $0x0;
	s16 =	sshrl.u32 s16, $0x2  }
0x25: {  	s15 =	sor.u32 $0x8000, s30;
	s17 =	sadd.s32 $0x20, s31;
	s16 =	sor.u32 $0x8000, s16  }
.LBB1_3:
0x26: {  	s19 =	sshll.u32 s18, $0xD  }
0x27: {  	s19 =	sand.u32 $0x3FFFE000, s19  }
0x28: {  	s21 =	sadd.s32 s19, s17  }
0x29: {  	s31 =	smul.u32 $0x8100, s18;
	v3 =	vld [tilespmem:s21+$0x10]  }
0x2a: {  	v1 =	vld [tilespmem:s21+$0xFFFFFFF0]  }
0x2b: {  	s18 =	sshra.s32 s31, $0x2;
	v0 =	vld [tilespmem:s21+$0x0]  }
0x2c: {  	s18 =	sadd.s32 s18, s16;
	v2 =	vld [tilespmem:s21+$0xFFFFFFE0]  }
0x2d: {  	s19 =	sadd.s32 $0x0, s18  }
0x2e: {  	p1 =	por p2, p2;
	s20 =	simm.s32 $0x4;
	s21 =	sadd.s32 $0x40, s21;
	[tilespmem:s19+$0x1830 ss:$0x81] =	vst.msk $0xffff, v3  }
.LBB1_4:
0x2f: {  	v3 =	vld [tilespmem:s21+$0x10];
	p2 =	sne.s32 s20, $0x1FC;
	[tilespmem:s19+$0x810 ss:$0x81] =	vst.msk $0xffff, v1;
	s22 =	smov.u32 s20;
	s20 =	sadd.s32 $0x4, s20  }
.Ltmp3:
0x30: {  	v1 =	vld [tilespmem:s21+$0xFFFFFFF0];
	[tilespmem:s19+$0x1020 ss:$0x81] =	vst.msk $0xffff, v0;
	(pc) =	sbr.rel @p2 .LBB1_4-.Ltmp3, $4  }
0x31: {  	v0 =	vld [tilespmem:s21+$0x0];
	[tilespmem:s19+$0x0 ss:$0x81] =	vst.msk $0xffff, v2  }
0x32: {  	s19 =	sshra.s32 s22, $0x2;
	v2 =	vld [tilespmem:s21+$0xFFFFFFE0]  }
0x33: {  	s19 =	sadd.s32 s19, s18  }
0x34: {  	s21 =	sadd.s32 $0x40, s21;
	[tilespmem:s19+$0x1830 ss:$0x81] =	vst.msk $0xffff, v3  }
.Ltmp4:
0x35: {  	(pc) =	sbr.rel @p1 .LBB1_3-.Ltmp4, $4  }
0x36: {  	_ = 	snop  }
0x37: {  	[tilespmem:s19+$0x810 ss:$0x81] =	vst.msk $0xffff, v1  }
0x38: {  	[tilespmem:s19+$0x1020 ss:$0x81] =	vst.msk $0xffff, v0  }
0x39: {  	s18 =	simm.s32 $0x1;
	p2 =	por $0x0, $0x0;
	[tilespmem:s19+$0x0 ss:$0x81] =	vst.msk $0xffff, v2  }
.Ltmp5:
0x3a: {  	(pc) =	sbr.rel .LBB1_7-.Ltmp5, $4  }
0x3b: {  	s14 =	sshll.u32 s14, $0xF  }
0x3c: {  	s14 =	sadd.s32 s3, s14  }
0x3d: {  	s13 =	sadd.s32 s13, s14  }
0x3e: {  	[hbm4b:s13+s9] =	stream.strided.scatter [tilespmem:s15], [sflag:$0x2], $0x4000, s10, s9, $0x20;
	[tilespmem:$0x10100] =	vst v63  }
.LBB1_8:
0x3f: {  	_ =	sfence.sel $0x180000  }
0x40: {  	s2 =	simm.s32 $0x1;
	[bflag:$0x0] =	sbarrier.arrive $0xFFFF  }
0x41: {  	s31 =	simm.s32 $0x2;
	[sflag:s2] =	ssyncpa.u1 $0x1  }
0x42: {  	[sflag:s31] =	ssyncpa.u1 $0x1  }
0x43: {  	p0 =	sne.s32 s0, $0x0;
	_ =	strace $0x9000004A  }
0x44: {  	s0 =	sadd.s32 @!p0 $0x100000, s1;
	[bflag:$0x2] =	sbarrier.arrive $0xFFFF  }
0x45: {  	[sflag:s0] =	ssyncadd.tile.s32 @!p0 $0x1;
	_ =	shalt  }
.Lfunc_end1:
_tile_overlayer_lowered:
.L_overlay_start_2:
0x46: {  	(tag) =	ssettag $0x2  }
0x47: {  	s0 =	rddreg [dreg:$0x0];
	s2 =	stileid.u32  }
0x48: {  	s1 =	rddreg [dreg:$0x1];
	p0 =	sne.s32 s2, $0x0  }
0x49: {  	s3 =	rddreg [dreg:$0x2];
	[bflag:$0x3] =	sbarrier.arrive $0xFFFF;
	s2 =	simm.s32 @!p0 $0x1C01  }
0x4a: {  	[timem:s3], [sflag:s2] =	dma.local @!p0 [hbm:s0], s1  }
0x4b: {  	s0 =	simm.s32 @!p0 $0x1  }
0x4c: {  	_ =	swait.ge @!p0 [sflag:s0], s1  }
0x4d: {  	s1 =	ssub.s32 @!p0 $0x0, s1;
	[sflag:s0] =	ssyncset.done @!p0 $0x0  }
0x4e: {  	[sflag:s0] =	ssyncadd.s32 @!p0 s1  }
0x4f: {  	[bflag:$0x3] =	sbarrier.arrive $0xFFFF  }
0x50: {  	_ =	shalt  }

</sc_bundles>
